<compile_context>
chip_gen: v7x
topology: tpu7x:2x2x1
jax: 0.10.2.dev20260603
libtpu: 0.0.44.dev20260713+nightly
codegen_flags: <defaults>
</compile_context>

<pallas_src>
import functools

import jax
import jax.numpy as jnp
from jax import lax
from jax.experimental import pallas as pl
from jax.experimental.pallas import tpu as pltpu
from jax.experimental.pallas import tpu_sc as plsc

N_NODES = 10000
N_EDGES = 320000
D_MODEL = 128
D_FF = 256
N_EXP = 64

N_PAD = 10240
ROWS_PER_TILE = 640
EDGE_BLK = 80
EDGE_NBLK = N_EDGES // EDGE_BLK
BLK_PER_WORKER = EDGE_NBLK // 32

_mesh = plsc.VectorSubcoreMesh(core_axis_name="c", subcore_axis_name="s")


@functools.partial(
    pl.kernel,
    out_type=[
        jax.ShapeDtypeStruct((2, N_PAD, D_MODEL), jnp.float32),
        jax.ShapeDtypeStruct((2, N_PAD), jnp.float32),
    ],
    mesh=_mesh,
    scratch_types=[
        pltpu.VMEM_SHARED((N_PAD, D_MODEL), jnp.float32),
        pltpu.VMEM_SHARED((N_PAD,), jnp.float32),
        pltpu.VMEM((BLK_PER_WORKER, EDGE_BLK), jnp.int32),
        pltpu.VMEM((BLK_PER_WORKER, EDGE_BLK), jnp.int32),
        pltpu.VMEM((EDGE_BLK, D_MODEL), jnp.float32),
        pltpu.VMEM((8, D_MODEL), jnp.float32),
        pltpu.VMEM((EDGE_BLK,), jnp.float32),
        pltpu.SemaphoreType.DMA,
    ],
)
def _sc_agg(feats_hbm, src_hbm, dst_hbm, parts_hbm, degp_hbm,
            agg_sh, deg_sh, src_v, dst_v, rows_v, zbuf, ones_v, sem):
    c = lax.axis_index("c")
    s = lax.axis_index("s")
    wid = c * 16 + s
    row0 = s * ROWS_PER_TILE

    @pl.loop(0, 8)
    def _(r):
        for k8 in range(D_MODEL // 16):
            zbuf[r, pl.ds(k8 * 16, 16)] = jnp.zeros((16,), jnp.float32)

    @pl.loop(0, EDGE_BLK // 16)
    def _(r):
        ones_v[pl.ds(r * 16, 16)] = jnp.ones((16,), jnp.float32)

    @pl.loop(0, ROWS_PER_TILE // 8)
    def _(jz):
        pltpu.sync_copy(zbuf, agg_sh.at[pl.ds(row0 + jz * 8, 8)])

    @pl.loop(0, ROWS_PER_TILE // D_MODEL)
    def _(jz):
        pltpu.sync_copy(zbuf.at[0], deg_sh.at[pl.ds(row0 + jz * D_MODEL, D_MODEL)])

    plsc.subcore_barrier()

    pltpu.sync_copy(src_hbm.at[wid], src_v)
    pltpu.sync_copy(dst_hbm.at[wid], dst_v)

    @pl.loop(0, BLK_PER_WORKER)
    def _(j):
        pltpu.async_copy(feats_hbm.at[src_v.at[j]], rows_v, sem).wait()
        pltpu.sync_copy(rows_v, agg_sh.at[dst_v.at[j]], add=True)
        pltpu.sync_copy(ones_v, deg_sh.at[dst_v.at[j]], add=True)

    plsc.subcore_barrier()

    pltpu.sync_copy(agg_sh.at[pl.ds(row0, ROWS_PER_TILE)],
                    parts_hbm.at[c, pl.ds(row0, ROWS_PER_TILE)])
    pltpu.sync_copy(deg_sh.at[pl.ds(row0, ROWS_PER_TILE)],
                    degp_hbm.at[c, pl.ds(row0, ROWS_PER_TILE)])


_B = 2048
_NB = N_PAD // _B


def _main_body(parts_ref, invd_ref, wc_ref, bc_ref, wg_ref,
               w1_ref, b1_ref, w2_ref, b2_ref,
               x_ref, bn_ref, h_s, acc_s, g1_s, g2_s, i1_s, i2_s):
    i = pl.program_id(0)
    e = pl.program_id(1)

    @pl.when(e == 0)
    def _():
        agg = parts_ref[0] + parts_ref[1]
        h = agg * invd_ref[...][:, None]
        h = jnp.dot(h, wc_ref[...], preferred_element_type=jnp.float32)
        h = h + bc_ref[...][None, :]
        h_s[...] = h
        logits = jnp.dot(h, wg_ref[...], preferred_element_type=jnp.float32)
        iota = lax.broadcasted_iota(jnp.int32, (_B, N_EXP), 1)
        m1 = jnp.max(logits, axis=-1, keepdims=True)
        i1 = jnp.min(jnp.where(logits == m1, iota, N_EXP), axis=-1, keepdims=True)
        l2 = jnp.where(iota == i1, -jnp.inf, logits)
        m2 = jnp.max(l2, axis=-1, keepdims=True)
        i2 = jnp.min(jnp.where(l2 == m2, iota, N_EXP), axis=-1, keepdims=True)
        r = jnp.exp(m2 - m1)
        g1_s[...] = 1.0 / (1.0 + r)
        g2_s[...] = r / (1.0 + r)
        i1_s[...] = i1
        i2_s[...] = i2
        acc_s[...] = jnp.zeros((_B, D_MODEL), jnp.float32)

    h = h_s[...]
    hid = jnp.dot(h, w1_ref[0], preferred_element_type=jnp.float32)
    hid = hid + b1_ref[0]
    hid = 0.5 * hid * (1.0 + lax.erf(hid * 0.7071067811865476))
    yo = jnp.dot(hid, w2_ref[0], preferred_element_type=jnp.float32)
    yo = yo + b2_ref[0]
    ge = (jnp.where(i1_s[...] == e, g1_s[...], 0.0)
          + jnp.where(i2_s[...] == e, g2_s[...], 0.0))
    acc_s[...] = acc_s[...] + yo * ge

    @pl.when(e == N_EXP - 1)
    def _():
        x = h_s[...] + acc_s[...]
        x_ref[...] = x
        row = lax.broadcasted_iota(jnp.int32, (_B, 1), 0) + i * _B
        xm = jnp.where(row < N_NODES, x, 0.0)
        s1 = jnp.sum(xm, axis=0)[None, :]
        s2 = jnp.sum(xm * xm, axis=0)[None, :]
        prev = jnp.where(i == 0, jnp.zeros((2, D_MODEL), jnp.float32), bn_ref[...])
        bn_ref[...] = prev + jnp.concatenate([s1, s2], axis=0)


def _tc_main(parts, inv_deg, W_conv, b_conv, W_gate, w1, b1, w2, b2):
    return pl.pallas_call(
        _main_body,
        grid=(_NB, N_EXP),
        in_specs=[
            pl.BlockSpec((2, _B, D_MODEL), lambda i, e: (0, i, 0)),
            pl.BlockSpec((_B,), lambda i, e: (i,)),
            pl.BlockSpec((D_MODEL, D_MODEL), lambda i, e: (0, 0)),
            pl.BlockSpec((D_MODEL,), lambda i, e: (0,)),
            pl.BlockSpec((D_MODEL, N_EXP), lambda i, e: (0, 0)),
            pl.BlockSpec((1, D_MODEL, D_FF), lambda i, e: (e, 0, 0)),
            pl.BlockSpec((1, 1, D_FF), lambda i, e: (e, 0, 0)),
            pl.BlockSpec((1, D_FF, D_MODEL), lambda i, e: (e, 0, 0)),
            pl.BlockSpec((1, 1, D_MODEL), lambda i, e: (e, 0, 0)),
        ],
        out_specs=[
            pl.BlockSpec((_B, D_MODEL), lambda i, e: (i, 0)),
            pl.BlockSpec((2, D_MODEL), lambda i, e: (0, 0)),
        ],
        out_shape=[
            jax.ShapeDtypeStruct((N_NODES, D_MODEL), jnp.float32),
            jax.ShapeDtypeStruct((2, D_MODEL), jnp.float32),
        ],
        scratch_shapes=[
            pltpu.VMEM((_B, D_MODEL), jnp.float32),
            pltpu.VMEM((_B, D_MODEL), jnp.float32),
            pltpu.VMEM((_B, 1), jnp.float32),
            pltpu.VMEM((_B, 1), jnp.float32),
            pltpu.VMEM((_B, 1), jnp.int32),
            pltpu.VMEM((_B, 1), jnp.int32),
        ],
        compiler_params=pltpu.CompilerParams(
            dimension_semantics=("arbitrary", "arbitrary")),
    )(parts, inv_deg, W_conv, b_conv, W_gate, w1,
      b1.reshape(N_EXP, 1, D_FF), w2, b2.reshape(N_EXP, 1, D_MODEL))


def _norm_body(x_ref, sc_ref, sh_ref, y_ref):
    y_ref[...] = x_ref[...] * sc_ref[...][None, :] + sh_ref[...][None, :]


def _tc_norm(x, scale, shift):
    return pl.pallas_call(
        _norm_body,
        grid=(_NB,),
        in_specs=[
            pl.BlockSpec((_B, D_MODEL), lambda i: (i, 0)),
            pl.BlockSpec((D_MODEL,), lambda i: (0,)),
            pl.BlockSpec((D_MODEL,), lambda i: (0,)),
        ],
        out_specs=pl.BlockSpec((_B, D_MODEL), lambda i: (i, 0)),
        out_shape=jax.ShapeDtypeStruct((N_NODES, D_MODEL), jnp.float32),
    )(x, scale, shift)


def kernel(feats, graph, W_conv, b_conv, W_gate, w1, b1, w2, b2, gamma, beta):
    src = graph[0].reshape(32, BLK_PER_WORKER, EDGE_BLK)
    dst = graph[1].reshape(32, BLK_PER_WORKER, EDGE_BLK)
    parts, degp = _sc_agg(feats, src, dst)
    inv_deg = 1.0 / jnp.maximum(degp[0] + degp[1], 1.0)
    x, bn = _tc_main(parts, inv_deg, W_conv, b_conv, W_gate, w1, b1, w2, b2)
    n = jnp.float32(N_NODES)
    mean = bn[0] / n
    var = jnp.maximum(bn[1] / n - mean * mean, 0.0)
    scale = gamma * lax.rsqrt(var + 1e-5)
    shift = beta - mean * scale
    return _tc_norm(x, scale, shift)

# --- scband reference (transcript-rebuilt; emitter-appended) ---
"""Pipeline reference for scband-graph-conv-block-11871289606705 (READ-ONLY COPY).

The authoritative reference and input builder live on the scoring server;
editing this copy changes nothing except your own understanding.
"""

import jax, jax.numpy as jnp
import numpy as np

N_NODES = 10000
N_EDGES = 320000
D_MODEL = 128
D_FF = 256
N_EXP = 64
TOP_K = 2


def setup_inputs(seed: int = 0) -> dict:
    key = jax.random.key(seed)
    ks = jax.random.split(key, 12)
    feats = jax.random.normal(ks[0], (N_NODES, D_MODEL), dtype=jnp.float32)
    graph = jax.random.randint(ks[1], (2, N_EDGES), 0, N_NODES, dtype=jnp.int32)
    W_conv = jax.random.normal(ks[2], (D_MODEL, D_MODEL), dtype=jnp.float32) / np.sqrt(D_MODEL)
    b_conv = jnp.zeros((D_MODEL,), dtype=jnp.float32)
    W_gate = jax.random.normal(ks[3], (D_MODEL, N_EXP), dtype=jnp.float32) / np.sqrt(D_MODEL)
    w1 = jax.random.normal(ks[4], (N_EXP, D_MODEL, D_FF), dtype=jnp.float32) / np.sqrt(D_MODEL)
    b1 = jnp.zeros((N_EXP, D_FF), dtype=jnp.float32)
    w2 = jax.random.normal(ks[5], (N_EXP, D_FF, D_MODEL), dtype=jnp.float32) / np.sqrt(D_FF)
    b2 = jnp.zeros((N_EXP, D_MODEL), dtype=jnp.float32)
    gamma = jnp.ones((D_MODEL,), dtype=jnp.float32)
    beta = jnp.zeros((D_MODEL,), dtype=jnp.float32)
    return {"feats": feats, "graph": graph, "W_conv": W_conv, "b_conv": b_conv,
            "W_gate": W_gate, "w1": w1, "b1": b1, "w2": w2, "b2": b2,
            "gamma": gamma, "beta": beta}


def _moe_ff(h, W_gate, w1, b1, w2, b2):
    # fmoe-style top-k gating: top_k over expert logits, softmax over the selected logits
    logits = h @ W_gate                       # [N, E]
    top_vals, top_idx = jax.lax.top_k(logits, TOP_K)  # [N, K]
    gates = jax.nn.softmax(top_vals, axis=-1)          # [N, K]

    def body(acc, params):
        w1_e, b1_e, w2_e, b2_e, e = params
        hid = jax.nn.gelu(h @ w1_e + b1_e, approximate=False)  # nn.GELU default (exact)
        y = hid @ w2_e + b2_e                                   # [N, D]
        gate_e = jnp.sum(jnp.where(top_idx == e, gates, 0.0), axis=-1)  # [N]
        return acc + y * gate_e[:, None], None

    es = jnp.arange(N_EXP, dtype=jnp.int32)
    acc0 = jnp.zeros_like(h)
    out, _ = jax.lax.scan(body, acc0, (w1, b1, w2, b2, es))
    return out


def reference(feats, graph, W_conv, b_conv, W_gate, w1, b1, w2, b2, gamma, beta):
    src = graph[0]
    dst = graph[1]
    # graph conv: mean aggregation over in-neighbors, then linear
    msg = jnp.take(feats, src, axis=0)                              # gather [E, D]
    agg = jax.ops.segment_sum(msg, dst, num_segments=N_NODES)       # scatter-add [N, D]
    deg = jax.ops.segment_sum(jnp.ones((N_EDGES,), feats.dtype), dst, num_segments=N_NODES)
    h = agg / jnp.maximum(deg, 1.0)[:, None]
    h = h @ W_conv + b_conv                                         # new_feats [N, D]

    # CustomizedMoEPositionwiseFF: moe ffn -> dropout(0) -> batchnorm(inp + core)
    core = _moe_ff(h, W_gate, w1, b1, w2, b2)
    x = h + core
    mean = jnp.mean(x, axis=0)
    var = jnp.var(x, axis=0)
    y = (x - mean) / jnp.sqrt(var + 1e-5) * gamma + beta  # BatchNorm1d (batch stats)
    return y

if __name__ == "__main__":
    import jax
    _d = setup_inputs()
    print(jax.jit(kernel)(*tuple(_d.values())))

</pallas_src>

<mosaic_0001>
#map = affine_map<(d0, d1) -> (0, 0)>
#map1 = affine_map<(d0, d1) -> (0, 0, 0)>
module attributes {stable_mosaic.version = 14 : i64} {
  func.func @_sc_agg(%arg0: i32, %arg1: i32, %arg2: memref<10000x128xf32, #tpu.memory_space<hbm>>, %arg3: memref<32x125x80xi32, #tpu.memory_space<hbm>>, %arg4: memref<32x125x80xi32, #tpu.memory_space<hbm>>, %arg5: memref<2x10240x128xf32, #tpu.memory_space<hbm>>, %arg6: memref<2x10240xf32, #tpu.memory_space<hbm>>, %arg7: memref<10240x128xf32, #tpu.memory_space<vmem_shared>>, %arg8: memref<10240xf32, #tpu.memory_space<vmem_shared>>, %arg9: memref<125x80xi32, #tpu.memory_space<vmem>>, %arg10: memref<125x80xi32, #tpu.memory_space<vmem>>, %arg11: memref<80x128xf32, #tpu.memory_space<vmem>>, %arg12: memref<8x128xf32, #tpu.memory_space<vmem>>, %arg13: memref<80xf32, #tpu.memory_space<vmem>>, %arg14: memref<!tpu.dma_semaphore, #tpu.memory_space<semaphore_mem>>) attributes {dimension_semantics = [#tpu.dimension_semantics<core_parallel>, #tpu.dimension_semantics<subcore_parallel>], iteration_bounds = array<i64: 2, 16>, scalar_prefetch = 0 : i64, scratch_operands = 8 : i64, tpu.core_type = #tpu.core_type<sc_vector_subcore>, window_params = [{transform_indices = #map}, {transform_indices = #map1}, {transform_indices = #map1}, {transform_indices = #map1}, {transform_indices = #map}]} {
    %mul3A = arith.constant 16 : i32
    %mul3A_0 = arith.muli %arg0, %mul3A : i32
    %add3A = arith.addi %mul3A_0, %arg1 : i32
    %mul3A_1 = arith.constant 640 : i32
    %mul3A_2 = arith.muli %arg1, %mul3A_1 : i32
    %scan3A = arith.constant 0 : i32
    %scan3A_3 = arith.constant 8 : i32
    %scan3A_4 = arith.addi %scan3A, %scan3A_3 : i32
    %scan3A_5 = arith.constant 1 : i32
    scf.for %scan3A_28 = %scan3A to %scan3A_4 step %scan3A_5  : i32 {
      %mul3A_29 = arith.constant 1 : i32
      %mul3A_30 = arith.muli %scan3A_28, %mul3A_29 : i32
      %add3A_31 = arith.constant 0 : i32
      %add3A_32 = arith.addi %add3A_31, %mul3A_30 : i32
      %broadcast_in_dim3A = arith.constant 0.000000e+00 : f32
      %broadcast_in_dim3A_33 = vector.broadcast %broadcast_in_dim3A : f32 to vector<16xf32>
      %swap3A = arith.index_cast %add3A_32 : i32 to index
      %swap3A_34 = arith.constant 0 : index
      %swap3A_35 = tpu.vector_load %arg12[%swap3A, %swap3A_34] {strides = array<i32>} : memref<8x128xf32, #tpu.memory_space<vmem>>, vector<1x16xf32>,
      %swap3A_36 = vector.shape_cast %swap3A_35 : vector<1x16xf32> to vector<16xf32>
      %swap3A_37 = vector.shape_cast %broadcast_in_dim3A_33 : vector<16xf32> to vector<1x16xf32>
      tpu.vector_store %arg12[%swap3A, %swap3A_34], %swap3A_37 {strides = array<i32>} : memref<8x128xf32, #tpu.memory_space<vmem>>, vector<1x16xf32>,
      %broadcast_in_dim3A_38 = arith.constant 0.000000e+00 : f32
      %broadcast_in_dim3A_39 = vector.broadcast %broadcast_in_dim3A_38 : f32 to vector<16xf32>
      %swap3A_40 = arith.index_cast %add3A_32 : i32 to index
      %swap3A_41 = arith.constant 16 : index
      %swap3A_42 = tpu.vector_load %arg12[%swap3A_40, %swap3A_41] {strides = array<i32>} : memref<8x128xf32, #tpu.memory_space<vmem>>, vector<1x16xf32>,
      %swap3A_43 = vector.shape_cast %swap3A_42 : vector<1x16xf32> to vector<16xf32>
      %swap3A_44 = vector.shape_cast %broadcast_in_dim3A_39 : vector<16xf32> to vector<1x16xf32>
      tpu.vector_store %arg12[%swap3A_40, %swap3A_41], %swap3A_44 {strides = array<i32>} : memref<8x128xf32, #tpu.memory_space<vmem>>, vector<1x16xf32>,
      %broadcast_in_dim3A_45 = arith.constant 0.000000e+00 : f32
      %broadcast_in_dim3A_46 = vector.broadcast %broadcast_in_dim3A_45 : f32 to vector<16xf32>
      %swap3A_47 = arith.index_cast %add3A_32 : i32 to index
      %swap3A_48 = arith.constant 32 : index
      %swap3A_49 = tpu.vector_load %arg12[%swap3A_47, %swap3A_48] {strides = array<i32>} : memref<8x128xf32, #tpu.memory_space<vmem>>, vector<1x16xf32>,
      %swap3A_50 = vector.shape_cast %swap3A_49 : vector<1x16xf32> to vector<16xf32>
      %swap3A_51 = vector.shape_cast %broadcast_in_dim3A_46 : vector<16xf32> to vector<1x16xf32>
      tpu.vector_store %arg12[%swap3A_47, %swap3A_48], %swap3A_51 {strides = array<i32>} : memref<8x128xf32, #tpu.memory_space<vmem>>, vector<1x16xf32>,
      %broadcast_in_dim3A_52 = arith.constant 0.000000e+00 : f32
      %broadcast_in_dim3A_53 = vector.broadcast %broadcast_in_dim3A_52 : f32 to vector<16xf32>
      %swap3A_54 = arith.index_cast %add3A_32 : i32 to index
      %swap3A_55 = arith.constant 48 : index
      %swap3A_56 = tpu.vector_load %arg12[%swap3A_54, %swap3A_55] {strides = array<i32>} : memref<8x128xf32, #tpu.memory_space<vmem>>, vector<1x16xf32>,
      %swap3A_57 = vector.shape_cast %swap3A_56 : vector<1x16xf32> to vector<16xf32>
      %swap3A_58 = vector.shape_cast %broadcast_in_dim3A_53 : vector<16xf32> to vector<1x16xf32>
      tpu.vector_store %arg12[%swap3A_54, %swap3A_55], %swap3A_58 {strides = array<i32>} : memref<8x128xf32, #tpu.memory_space<vmem>>, vector<1x16xf32>,
      %broadcast_in_dim3A_59 = arith.constant 0.000000e+00 : f32
      %broadcast_in_dim3A_60 = vector.broadcast %broadcast_in_dim3A_59 : f32 to vector<16xf32>
      %swap3A_61 = arith.index_cast %add3A_32 : i32 to index
      %swap3A_62 = arith.constant 64 : index
      %swap3A_63 = tpu.vector_load %arg12[%swap3A_61, %swap3A_62] {strides = array<i32>} : memref<8x128xf32, #tpu.memory_space<vmem>>, vector<1x16xf32>,
      %swap3A_64 = vector.shape_cast %swap3A_63 : vector<1x16xf32> to vector<16xf32>
      %swap3A_65 = vector.shape_cast %broadcast_in_dim3A_60 : vector<16xf32> to vector<1x16xf32>
      tpu.vector_store %arg12[%swap3A_61, %swap3A_62], %swap3A_65 {strides = array<i32>} : memref<8x128xf32, #tpu.memory_space<vmem>>, vector<1x16xf32>,
      %broadcast_in_dim3A_66 = arith.constant 0.000000e+00 : f32
      %broadcast_in_dim3A_67 = vector.broadcast %broadcast_in_dim3A_66 : f32 to vector<16xf32>
      %swap3A_68 = arith.index_cast %add3A_32 : i32 to index
      %swap3A_69 = arith.constant 80 : index
      %swap3A_70 = tpu.vector_load %arg12[%swap3A_68, %swap3A_69] {strides = array<i32>} : memref<8x128xf32, #tpu.memory_space<vmem>>, vector<1x16xf32>,
      %swap3A_71 = vector.shape_cast %swap3A_70 : vector<1x16xf32> to vector<16xf32>
      %swap3A_72 = vector.shape_cast %broadcast_in_dim3A_67 : vector<16xf32> to vector<1x16xf32>
      tpu.vector_store %arg12[%swap3A_68, %swap3A_69], %swap3A_72 {strides = array<i32>} : memref<8x128xf32, #tpu.memory_space<vmem>>, vector<1x16xf32>,
      %broadcast_in_dim3A_73 = arith.constant 0.000000e+00 : f32
      %broadcast_in_dim3A_74 = vector.broadcast %broadcast_in_dim3A_73 : f32 to vector<16xf32>
      %swap3A_75 = arith.index_cast %add3A_32 : i32 to index
      %swap3A_76 = arith.constant 96 : index
      %swap3A_77 = tpu.vector_load %arg12[%swap3A_75, %swap3A_76] {strides = array<i32>} : memref<8x128xf32, #tpu.memory_space<vmem>>, vector<1x16xf32>,
      %swap3A_78 = vector.shape_cast %swap3A_77 : vector<1x16xf32> to vector<16xf32>
      %swap3A_79 = vector.shape_cast %broadcast_in_dim3A_74 : vector<16xf32> to vector<1x16xf32>
      tpu.vector_store %arg12[%swap3A_75, %swap3A_76], %swap3A_79 {strides = array<i32>} : memref<8x128xf32, #tpu.memory_space<vmem>>, vector<1x16xf32>,
      %broadcast_in_dim3A_80 = arith.constant 0.000000e+00 : f32
      %broadcast_in_dim3A_81 = vector.broadcast %broadcast_in_dim3A_80 : f32 to vector<16xf32>
      %swap3A_82 = arith.index_cast %add3A_32 : i32 to index
      %swap3A_83 = arith.constant 112 : index
      %swap3A_84 = tpu.vector_load %arg12[%swap3A_82, %swap3A_83] {strides = array<i32>} : memref<8x128xf32, #tpu.memory_space<vmem>>, vector<1x16xf32>,
      %swap3A_85 = vector.shape_cast %swap3A_84 : vector<1x16xf32> to vector<16xf32>
      %swap3A_86 = vector.shape_cast %broadcast_in_dim3A_81 : vector<16xf32> to vector<1x16xf32>
      tpu.vector_store %arg12[%swap3A_82, %swap3A_83], %swap3A_86 {strides = array<i32>} : memref<8x128xf32, #tpu.memory_space<vmem>>, vector<1x16xf32>,
    }
    %scan3A_6 = arith.constant 8 : i32
    %scan3A_7 = arith.constant 0 : i32
    %scan3A_8 = arith.constant 5 : i32
    %scan3A_9 = arith.addi %scan3A_7, %scan3A_8 : i32
    %scan3A_10 = arith.constant 1 : i32
    scf.for %scan3A_28 = %scan3A_7 to %scan3A_9 step %scan3A_10  : i32 {
      %mul3A_29 = arith.constant 1 : i32
      %mul3A_30 = arith.muli %scan3A_28, %mul3A_29 : i32
      %add3A_31 = arith.constant 0 : i32
      %add3A_32 = arith.addi %add3A_31, %mul3A_30 : i32
      %broadcast_in_dim3A = arith.constant 1.000000e+00 : f32
      %broadcast_in_dim3A_33 = vector.broadcast %broadcast_in_dim3A : f32 to vector<16xf32>
      %mul3A_34 = arith.constant 16 : i32
      %mul3A_35 = arith.muli %add3A_32, %mul3A_34 : i32
      %swap3A = arith.index_cast %mul3A_35 : i32 to index
      %swap3A_36 = tpu.vector_load %arg13[%swap3A] {strides = array<i32>} : memref<80xf32, #tpu.memory_space<vmem>>, vector<16xf32>,
      %swap3A_37 = vector.shape_cast %swap3A_36 : vector<16xf32> to vector<16xf32>
      %swap3A_38 = vector.shape_cast %broadcast_in_dim3A_33 : vector<16xf32> to vector<16xf32>
      tpu.vector_store %arg13[%swap3A], %swap3A_38 {strides = array<i32>} : memref<80xf32, #tpu.memory_space<vmem>>, vector<16xf32>,
    }
    %scan3A_11 = arith.constant 5 : i32
    %scan3A_12 = arith.constant 0 : i32
    %scan3A_13 = arith.constant 80 : i32
    %scan3A_14 = arith.addi %scan3A_12, %scan3A_13 : i32
    %scan3A_15 = arith.constant 1 : i32
    scf.for %scan3A_28 = %scan3A_12 to %scan3A_14 step %scan3A_15  : i32 {
      %mul3A_29 = arith.constant 1 : i32
      %mul3A_30 = arith.muli %scan3A_28, %mul3A_29 : i32
      %add3A_31 = arith.constant 0 : i32
      %add3A_32 = arith.addi %add3A_31, %mul3A_30 : i32
      %mul3A_33 = arith.constant 8 : i32
      %mul3A_34 = arith.muli %add3A_32, %mul3A_33 : i32
      %add3A_35 = arith.addi %mul3A_2, %mul3A_34 : i32
      "tpu.region"() ({
        %run_scoped3A = tpu.sem_alloc : memref<!tpu.dma_semaphore, #tpu.memory_space<semaphore_mem>>
        %dma_start3A = arith.constant 0 : i32
        %dma_start3A_36 = tpu.memref_slice %arg7[%add3A_35, %dma_start3A] : memref<10240x128xf32, #tpu.memory_space<vmem_shared>> -> memref<8x128xf32, #tpu.memory_space<vmem_shared>>
        %dma_start3A_37 = arith.constant 0 : i32
        %dma_start3A_38 = tpu.memref_slice %arg7[%add3A_35, %dma_start3A_37] : memref<10240x128xf32, #tpu.memory_space<vmem_shared>> -> memref<8x128xf32, #tpu.memory_space<vmem_shared>>
        tpu.enqueue_dma source(%arg12 : memref<8x128xf32, #tpu.memory_space<vmem>>) target(%dma_start3A_38 : memref<8x128xf32, #tpu.memory_space<vmem_shared>>) target_semaphore(%run_scoped3A : memref<!tpu.dma_semaphore, #tpu.memory_space<semaphore_mem>>)
        %dma_wait3A = arith.constant 0 : i32
        %dma_wait3A_39 = tpu.memref_slice %arg7[%add3A_35, %dma_wait3A] : memref<10240x128xf32, #tpu.memory_space<vmem_shared>> -> memref<8x128xf32, #tpu.memory_space<vmem_shared>>
        %dma_wait3A_40 = arith.constant 0 : i32
        %dma_wait3A_41 = tpu.memref_slice %arg7[%add3A_35, %dma_wait3A_40] : memref<10240x128xf32, #tpu.memory_space<vmem_shared>> -> memref<8x128xf32, #tpu.memory_space<vmem_shared>>
        tpu.wait_dma2 semaphore(%run_scoped3A : memref<!tpu.dma_semaphore, #tpu.memory_space<semaphore_mem>>) src(%arg12 : memref<8x128xf32, #tpu.memory_space<vmem>>) dst(%dma_wait3A_41 : memref<8x128xf32, #tpu.memory_space<vmem_shared>>)
        tpu.yield
      }) : () -> ()
    }
    %scan3A_16 = arith.constant 80 : i32
    %scan3A_17 = arith.constant 0 : i32
    %scan3A_18 = arith.constant 5 : i32
    %scan3A_19 = arith.addi %scan3A_17, %scan3A_18 : i32
    %scan3A_20 = arith.constant 1 : i32
    scf.for %scan3A_28 = %scan3A_17 to %scan3A_19 step %scan3A_20  : i32 {
      %mul3A_29 = arith.constant 1 : i32
      %mul3A_30 = arith.muli %scan3A_28, %mul3A_29 : i32
      %add3A_31 = arith.constant 0 : i32
      %add3A_32 = arith.addi %add3A_31, %mul3A_30 : i32
      %mul3A_33 = arith.constant 128 : i32
      %mul3A_34 = arith.muli %add3A_32, %mul3A_33 : i32
      %add3A_35 = arith.addi %mul3A_2, %mul3A_34 : i32
      %run_scoped3A = arith.constant 0 : i32
      "tpu.region"() ({
        %run_scoped3A_36 = tpu.sem_alloc : memref<!tpu.dma_semaphore, #tpu.memory_space<semaphore_mem>>
        %dma_start3A = arith.constant 0 : i32
        %dma_start3A_37 = tpu.memref_slice %arg12[%run_scoped3A, %dma_start3A] : memref<8x128xf32, #tpu.memory_space<vmem>> -> memref<1x128xf32, #tpu.memory_space<vmem>>
        %dma_start3A_38 = tpu.memref_squeeze %dma_start3A_37 : memref<1x128xf32, #tpu.memory_space<vmem>> -> memref<128xf32, #tpu.memory_space<vmem>>
        %dma_start3A_39 = tpu.memref_slice %arg8[%add3A_35] : memref<10240xf32, #tpu.memory_space<vmem_shared>> -> memref<128xf32, #tpu.memory_space<vmem_shared>>
        %dma_start3A_40 = tpu.memref_slice %arg8[%add3A_35] : memref<10240xf32, #tpu.memory_space<vmem_shared>> -> memref<128xf32, #tpu.memory_space<vmem_shared>>
        %dma_start3A_41 = arith.constant 0 : i32
        %dma_start3A_42 = tpu.memref_slice %arg12[%run_scoped3A, %dma_start3A_41] : memref<8x128xf32, #tpu.memory_space<vmem>> -> memref<1x128xf32, #tpu.memory_space<vmem>>
        %dma_start3A_43 = tpu.memref_squeeze %dma_start3A_42 : memref<1x128xf32, #tpu.memory_space<vmem>> -> memref<128xf32, #tpu.memory_space<vmem>>
        tpu.enqueue_dma source(%dma_start3A_43 : memref<128xf32, #tpu.memory_space<vmem>>) target(%dma_start3A_40 : memref<128xf32, #tpu.memory_space<vmem_shared>>) target_semaphore(%run_scoped3A_36 : memref<!tpu.dma_semaphore, #tpu.memory_space<semaphore_mem>>)
        %dma_wait3A = arith.constant 0 : i32
        %dma_wait3A_44 = tpu.memref_slice %arg12[%run_scoped3A, %dma_wait3A] : memref<8x128xf32, #tpu.memory_space<vmem>> -> memref<1x128xf32, #tpu.memory_space<vmem>>
        %dma_wait3A_45 = tpu.memref_squeeze %dma_wait3A_44 : memref<1x128xf32, #tpu.memory_space<vmem>> -> memref<128xf32, #tpu.memory_space<vmem>>
        %dma_wait3A_46 = tpu.memref_slice %arg8[%add3A_35] : memref<10240xf32, #tpu.memory_space<vmem_shared>> -> memref<128xf32, #tpu.memory_space<vmem_shared>>
        %dma_wait3A_47 = tpu.memref_slice %arg8[%add3A_35] : memref<10240xf32, #tpu.memory_space<vmem_shared>> -> memref<128xf32, #tpu.memory_space<vmem_shared>>
        %dma_wait3A_48 = arith.constant 0 : i32
        %dma_wait3A_49 = tpu.memref_slice %arg12[%run_scoped3A, %dma_wait3A_48] : memref<8x128xf32, #tpu.memory_space<vmem>> -> memref<1x128xf32, #tpu.memory_space<vmem>>
        %dma_wait3A_50 = tpu.memref_squeeze %dma_wait3A_49 : memref<1x128xf32, #tpu.memory_space<vmem>> -> memref<128xf32, #tpu.memory_space<vmem>>
        tpu.wait_dma2 semaphore(%run_scoped3A_36 : memref<!tpu.dma_semaphore, #tpu.memory_space<semaphore_mem>>) src(%dma_wait3A_50 : memref<128xf32, #tpu.memory_space<vmem>>) dst(%dma_wait3A_47 : memref<128xf32, #tpu.memory_space<vmem_shared>>)
        tpu.yield
      }) : () -> ()
    }
    %scan3A_21 = arith.constant 5 : i32
    %barrier3A = arith.constant 0 : index
    tpu.barrier barrier_id(%barrier3A)
    "tpu.region"() ({
      %run_scoped3A = tpu.sem_alloc : memref<!tpu.dma_semaphore, #tpu.memory_space<semaphore_mem>>
      %dma_start3A = arith.constant 0 : i32
      %dma_start3A_28 = arith.constant 0 : i32
      %dma_start3A_29 = tpu.memref_slice %arg3[%add3A, %dma_start3A, %dma_start3A_28] : memref<32x125x80xi32, #tpu.memory_space<hbm>> -> memref<1x125x80xi32, #tpu.memory_space<hbm>>
      %dma_start3A_30 = tpu.memref_squeeze %dma_start3A_29 : memref<1x125x80xi32, #tpu.memory_space<hbm>> -> memref<125x80xi32, #tpu.memory_space<hbm>>
      %dma_start3A_31 = arith.constant 0 : i32
      %dma_start3A_32 = arith.constant 0 : i32
      %dma_start3A_33 = tpu.memref_slice %arg3[%add3A, %dma_start3A_31, %dma_start3A_32] : memref<32x125x80xi32, #tpu.memory_space<hbm>> -> memref<1x125x80xi32, #tpu.memory_space<hbm>>
      %dma_start3A_34 = tpu.memref_squeeze %dma_start3A_33 : memref<1x125x80xi32, #tpu.memory_space<hbm>> -> memref<125x80xi32, #tpu.memory_space<hbm>>
      tpu.enqueue_dma source(%dma_start3A_34 : memref<125x80xi32, #tpu.memory_space<hbm>>) target(%arg9 : memref<125x80xi32, #tpu.memory_space<vmem>>) target_semaphore(%run_scoped3A : memref<!tpu.dma_semaphore, #tpu.memory_space<semaphore_mem>>)
      %dma_wait3A = arith.constant 0 : i32
      %dma_wait3A_35 = arith.constant 0 : i32
      %dma_wait3A_36 = tpu.memref_slice %arg3[%add3A, %dma_wait3A, %dma_wait3A_35] : memref<32x125x80xi32, #tpu.memory_space<hbm>> -> memref<1x125x80xi32, #tpu.memory_space<hbm>>
      %dma_wait3A_37 = tpu.memref_squeeze %dma_wait3A_36 : memref<1x125x80xi32, #tpu.memory_space<hbm>> -> memref<125x80xi32, #tpu.memory_space<hbm>>
      %dma_wait3A_38 = arith.constant 0 : i32
      %dma_wait3A_39 = arith.constant 0 : i32
      %dma_wait3A_40 = tpu.memref_slice %arg3[%add3A, %dma_wait3A_38, %dma_wait3A_39] : memref<32x125x80xi32, #tpu.memory_space<hbm>> -> memref<1x125x80xi32, #tpu.memory_space<hbm>>
      %dma_wait3A_41 = tpu.memref_squeeze %dma_wait3A_40 : memref<1x125x80xi32, #tpu.memory_space<hbm>> -> memref<125x80xi32, #tpu.memory_space<hbm>>
      tpu.wait_dma2 semaphore(%run_scoped3A : memref<!tpu.dma_semaphore, #tpu.memory_space<semaphore_mem>>) src(%dma_wait3A_41 : memref<125x80xi32, #tpu.memory_space<hbm>>) dst(%arg9 : memref<125x80xi32, #tpu.memory_space<vmem>>)
      tpu.yield
    }) : () -> ()
    "tpu.region"() ({
      %run_scoped3A = tpu.sem_alloc : memref<!tpu.dma_semaphore, #tpu.memory_space<semaphore_mem>>
      %dma_start3A = arith.constant 0 : i32
      %dma_start3A_28 = arith.constant 0 : i32
      %dma_start3A_29 = tpu.memref_slice %arg4[%add3A, %dma_start3A, %dma_start3A_28] : memref<32x125x80xi32, #tpu.memory_space<hbm>> -> memref<1x125x80xi32, #tpu.memory_space<hbm>>
      %dma_start3A_30 = tpu.memref_squeeze %dma_start3A_29 : memref<1x125x80xi32, #tpu.memory_space<hbm>> -> memref<125x80xi32, #tpu.memory_space<hbm>>
      %dma_start3A_31 = arith.constant 0 : i32
      %dma_start3A_32 = arith.constant 0 : i32
      %dma_start3A_33 = tpu.memref_slice %arg4[%add3A, %dma_start3A_31, %dma_start3A_32] : memref<32x125x80xi32, #tpu.memory_space<hbm>> -> memref<1x125x80xi32, #tpu.memory_space<hbm>>
      %dma_start3A_34 = tpu.memref_squeeze %dma_start3A_33 : memref<1x125x80xi32, #tpu.memory_space<hbm>> -> memref<125x80xi32, #tpu.memory_space<hbm>>
      tpu.enqueue_dma source(%dma_start3A_34 : memref<125x80xi32, #tpu.memory_space<hbm>>) target(%arg10 : memref<125x80xi32, #tpu.memory_space<vmem>>) target_semaphore(%run_scoped3A : memref<!tpu.dma_semaphore, #tpu.memory_space<semaphore_mem>>)
      %dma_wait3A = arith.constant 0 : i32
      %dma_wait3A_35 = arith.constant 0 : i32
      %dma_wait3A_36 = tpu.memref_slice %arg4[%add3A, %dma_wait3A, %dma_wait3A_35] : memref<32x125x80xi32, #tpu.memory_space<hbm>> -> memref<1x125x80xi32, #tpu.memory_space<hbm>>
      %dma_wait3A_37 = tpu.memref_squeeze %dma_wait3A_36 : memref<1x125x80xi32, #tpu.memory_space<hbm>> -> memref<125x80xi32, #tpu.memory_space<hbm>>
      %dma_wait3A_38 = arith.constant 0 : i32
      %dma_wait3A_39 = arith.constant 0 : i32
      %dma_wait3A_40 = tpu.memref_slice %arg4[%add3A, %dma_wait3A_38, %dma_wait3A_39] : memref<32x125x80xi32, #tpu.memory_space<hbm>> -> memref<1x125x80xi32, #tpu.memory_space<hbm>>
      %dma_wait3A_41 = tpu.memref_squeeze %dma_wait3A_40 : memref<1x125x80xi32, #tpu.memory_space<hbm>> -> memref<125x80xi32, #tpu.memory_space<hbm>>
      tpu.wait_dma2 semaphore(%run_scoped3A : memref<!tpu.dma_semaphore, #tpu.memory_space<semaphore_mem>>) src(%dma_wait3A_41 : memref<125x80xi32, #tpu.memory_space<hbm>>) dst(%arg10 : memref<125x80xi32, #tpu.memory_space<vmem>>)
      tpu.yield
    }) : () -> ()
    %scan3A_22 = arith.constant 0 : i32
    %scan3A_23 = arith.constant 125 : i32
    %scan3A_24 = arith.addi %scan3A_22, %scan3A_23 : i32
    %scan3A_25 = arith.constant 1 : i32
    scf.for %scan3A_28 = %scan3A_22 to %scan3A_24 step %scan3A_25  : i32 {
      %mul3A_29 = arith.constant 1 : i32
      %mul3A_30 = arith.muli %scan3A_28, %mul3A_29 : i32
      %add3A_31 = arith.constant 0 : i32
      %add3A_32 = arith.addi %add3A_31, %mul3A_30 : i32
      %dma_start3A = arith.constant 0 : i32
      %dma_start3A_33 = tpu.memref_slice %arg9[%add3A_32, %dma_start3A] : memref<125x80xi32, #tpu.memory_space<vmem>> -> memref<1x80xi32, #tpu.memory_space<vmem>>
      %dma_start3A_34 = tpu.memref_squeeze %dma_start3A_33 : memref<1x80xi32, #tpu.memory_space<vmem>> -> memref<80xi32, #tpu.memory_space<vmem>>
      %dma_start3A_35 = arith.constant 0 : i32
      %dma_start3A_36 = arith.constant 0 : i32
      %dma_start3A_37 = tpu.memref_slice %arg2[%dma_start3A_35, %dma_start3A_36] : memref<10000x128xf32, #tpu.memory_space<hbm>> -> memref<10000x128xf32, #tpu.memory_space<hbm>>
      tpu.enqueue_indirect_dma source(%dma_start3A_37 : memref<10000x128xf32, #tpu.memory_space<hbm>>) target(%arg11 : memref<80x128xf32, #tpu.memory_space<vmem>>) offsets(%dma_start3A_34 : memref<80xi32, #tpu.memory_space<vmem>>) semaphore(%arg14 : memref<!tpu.dma_semaphore, #tpu.memory_space<semaphore_mem>>)
      %dma_wait3A = arith.constant 0 : i32
      %dma_wait3A_38 = tpu.memref_slice %arg9[%add3A_32, %dma_wait3A] : memref<125x80xi32, #tpu.memory_space<vmem>> -> memref<1x80xi32, #tpu.memory_space<vmem>>
      %dma_wait3A_39 = tpu.memref_squeeze %dma_wait3A_38 : memref<1x80xi32, #tpu.memory_space<vmem>> -> memref<80xi32, #tpu.memory_space<vmem>>
      %dma_wait3A_40 = arith.constant 0 : i32
      %dma_wait3A_41 = arith.constant 0 : i32
      %dma_wait3A_42 = tpu.memref_slice %arg2[%dma_wait3A_40, %dma_wait3A_41] : memref<10000x128xf32, #tpu.memory_space<hbm>> -> memref<10000x128xf32, #tpu.memory_space<hbm>>
      tpu.wait_indirect_dma semaphore(%arg14 : memref<!tpu.dma_semaphore, #tpu.memory_space<semaphore_mem>>) src(%dma_wait3A_42 : memref<10000x128xf32, #tpu.memory_space<hbm>>) dst(%arg11 : memref<80x128xf32, #tpu.memory_space<vmem>>)
      "tpu.region"() ({
        %run_scoped3A = tpu.sem_alloc : memref<!tpu.dma_semaphore, #tpu.memory_space<semaphore_mem>>
        %dma_start3A_43 = arith.constant 0 : i32
        %dma_start3A_44 = tpu.memref_slice %arg10[%add3A_32, %dma_start3A_43] : memref<125x80xi32, #tpu.memory_space<vmem>> -> memref<1x80xi32, #tpu.memory_space<vmem>>
        %dma_start3A_45 = tpu.memref_squeeze %dma_start3A_44 : memref<1x80xi32, #tpu.memory_space<vmem>> -> memref<80xi32, #tpu.memory_space<vmem>>
        %dma_start3A_46 = arith.constant 0 : i32
        %dma_start3A_47 = arith.constant 0 : i32
        %dma_start3A_48 = tpu.memref_slice %arg7[%dma_start3A_46, %dma_start3A_47] : memref<10240x128xf32, #tpu.memory_space<vmem_shared>> -> memref<10240x128xf32, #tpu.memory_space<vmem_shared>>
        tpu.enqueue_indirect_dma source(%arg11 : memref<80x128xf32, #tpu.memory_space<vmem>>) target(%dma_start3A_48 : memref<10240x128xf32, #tpu.memory_space<vmem_shared>>) offsets(%dma_start3A_45 : memref<80xi32, #tpu.memory_space<vmem>>) semaphore(%run_scoped3A : memref<!tpu.dma_semaphore, #tpu.memory_space<semaphore_mem>>) {add = true}
        %dma_wait3A_49 = arith.constant 0 : i32
        %dma_wait3A_50 = tpu.memref_slice %arg10[%add3A_32, %dma_wait3A_49] : memref<125x80xi32, #tpu.memory_space<vmem>> -> memref<1x80xi32, #tpu.memory_space<vmem>>
        %dma_wait3A_51 = tpu.memref_squeeze %dma_wait3A_50 : memref<1x80xi32, #tpu.memory_space<vmem>> -> memref<80xi32, #tpu.memory_space<vmem>>
        %dma_wait3A_52 = arith.constant 0 : i32
        %dma_wait3A_53 = arith.constant 0 : i32
        %dma_wait3A_54 = tpu.memref_slice %arg7[%dma_wait3A_52, %dma_wait3A_53] : memref<10240x128xf32, #tpu.memory_space<vmem_shared>> -> memref<10240x128xf32, #tpu.memory_space<vmem_shared>>
        tpu.wait_indirect_dma semaphore(%run_scoped3A : memref<!tpu.dma_semaphore, #tpu.memory_space<semaphore_mem>>) src(%arg11 : memref<80x128xf32, #tpu.memory_space<vmem>>) dst(%dma_wait3A_54 : memref<10240x128xf32, #tpu.memory_space<vmem_shared>>)
        tpu.yield
      }) : () -> ()
      "tpu.region"() ({
        %run_scoped3A = tpu.sem_alloc : memref<!tpu.dma_semaphore, #tpu.memory_space<semaphore_mem>>
        %dma_start3A_43 = arith.constant 0 : i32
        %dma_start3A_44 = tpu.memref_slice %arg10[%add3A_32, %dma_start3A_43] : memref<125x80xi32, #tpu.memory_space<vmem>> -> memref<1x80xi32, #tpu.memory_space<vmem>>
        %dma_start3A_45 = tpu.memref_squeeze %dma_start3A_44 : memref<1x80xi32, #tpu.memory_space<vmem>> -> memref<80xi32, #tpu.memory_space<vmem>>
        %dma_start3A_46 = arith.constant 0 : i32
        %dma_start3A_47 = tpu.memref_slice %arg8[%dma_start3A_46] : memref<10240xf32, #tpu.memory_space<vmem_shared>> -> memref<10240xf32, #tpu.memory_space<vmem_shared>>
        tpu.enqueue_indirect_dma source(%arg13 : memref<80xf32, #tpu.memory_space<vmem>>) target(%dma_start3A_47 : memref<10240xf32, #tpu.memory_space<vmem_shared>>) offsets(%dma_start3A_45 : memref<80xi32, #tpu.memory_space<vmem>>) semaphore(%run_scoped3A : memref<!tpu.dma_semaphore, #tpu.memory_space<semaphore_mem>>) {add = true}
        %dma_wait3A_48 = arith.constant 0 : i32
        %dma_wait3A_49 = tpu.memref_slice %arg10[%add3A_32, %dma_wait3A_48] : memref<125x80xi32, #tpu.memory_space<vmem>> -> memref<1x80xi32, #tpu.memory_space<vmem>>
        %dma_wait3A_50 = tpu.memref_squeeze %dma_wait3A_49 : memref<1x80xi32, #tpu.memory_space<vmem>> -> memref<80xi32, #tpu.memory_space<vmem>>
        %dma_wait3A_51 = arith.constant 0 : i32
        %dma_wait3A_52 = tpu.memref_slice %arg8[%dma_wait3A_51] : memref<10240xf32, #tpu.memory_space<vmem_shared>> -> memref<10240xf32, #tpu.memory_space<vmem_shared>>
        tpu.wait_indirect_dma semaphore(%run_scoped3A : memref<!tpu.dma_semaphore, #tpu.memory_space<semaphore_mem>>) src(%arg13 : memref<80xf32, #tpu.memory_space<vmem>>) dst(%dma_wait3A_52 : memref<10240xf32, #tpu.memory_space<vmem_shared>>)
        tpu.yield
      }) : () -> ()
    }
    %scan3A_26 = arith.constant 125 : i32
    %barrier3A_27 = arith.constant 0 : index
    tpu.barrier barrier_id(%barrier3A_27)
    "tpu.region"() ({
      %run_scoped3A = tpu.sem_alloc : memref<!tpu.dma_semaphore, #tpu.memory_space<semaphore_mem>>
      %dma_start3A = arith.constant 0 : i32
      %dma_start3A_28 = tpu.memref_slice %arg5[%arg0, %mul3A_2, %dma_start3A] : memref<2x10240x128xf32, #tpu.memory_space<hbm>> -> memref<1x640x128xf32, #tpu.memory_space<hbm>>
      %dma_start3A_29 = tpu.memref_squeeze %dma_start3A_28 : memref<1x640x128xf32, #tpu.memory_space<hbm>> -> memref<640x128xf32, #tpu.memory_space<hbm>>
      %dma_start3A_30 = arith.constant 0 : i32
      %dma_start3A_31 = tpu.memref_slice %arg7[%mul3A_2, %dma_start3A_30] : memref<10240x128xf32, #tpu.memory_space<vmem_shared>> -> memref<640x128xf32, #tpu.memory_space<vmem_shared>>
      tpu.enqueue_dma source(%dma_start3A_31 : memref<640x128xf32, #tpu.memory_space<vmem_shared>>) target(%dma_start3A_29 : memref<640x128xf32, #tpu.memory_space<hbm>>) target_semaphore(%run_scoped3A : memref<!tpu.dma_semaphore, #tpu.memory_space<semaphore_mem>>)
      %dma_wait3A = arith.constant 0 : i32
      %dma_wait3A_32 = tpu.memref_slice %arg5[%arg0, %mul3A_2, %dma_wait3A] : memref<2x10240x128xf32, #tpu.memory_space<hbm>> -> memref<1x640x128xf32, #tpu.memory_space<hbm>>
      %dma_wait3A_33 = tpu.memref_squeeze %dma_wait3A_32 : memref<1x640x128xf32, #tpu.memory_space<hbm>> -> memref<640x128xf32, #tpu.memory_space<hbm>>
      %dma_wait3A_34 = arith.constant 0 : i32
      %dma_wait3A_35 = tpu.memref_slice %arg7[%mul3A_2, %dma_wait3A_34] : memref<10240x128xf32, #tpu.memory_space<vmem_shared>> -> memref<640x128xf32, #tpu.memory_space<vmem_shared>>
      tpu.wait_dma2 semaphore(%run_scoped3A : memref<!tpu.dma_semaphore, #tpu.memory_space<semaphore_mem>>) src(%dma_wait3A_35 : memref<640x128xf32, #tpu.memory_space<vmem_shared>>) dst(%dma_wait3A_33 : memref<640x128xf32, #tpu.memory_space<hbm>>)
      tpu.yield
    }) : () -> ()
    "tpu.region"() ({
      %run_scoped3A = tpu.sem_alloc : memref<!tpu.dma_semaphore, #tpu.memory_space<semaphore_mem>>
      %dma_start3A = tpu.memref_slice %arg6[%arg0, %mul3A_2] : memref<2x10240xf32, #tpu.memory_space<hbm>> -> memref<1x640xf32, #tpu.memory_space<hbm>>
      %dma_start3A_28 = tpu.memref_squeeze %dma_start3A : memref<1x640xf32, #tpu.memory_space<hbm>> -> memref<640xf32, #tpu.memory_space<hbm>>
      %dma_start3A_29 = tpu.memref_slice %arg8[%mul3A_2] : memref<10240xf32, #tpu.memory_space<vmem_shared>> -> memref<640xf32, #tpu.memory_space<vmem_shared>>
      tpu.enqueue_dma source(%dma_start3A_29 : memref<640xf32, #tpu.memory_space<vmem_shared>>) target(%dma_start3A_28 : memref<640xf32, #tpu.memory_space<hbm>>) target_semaphore(%run_scoped3A : memref<!tpu.dma_semaphore, #tpu.memory_space<semaphore_mem>>)
      %dma_wait3A = tpu.memref_slice %arg6[%arg0, %mul3A_2] : memref<2x10240xf32, #tpu.memory_space<hbm>> -> memref<1x640xf32, #tpu.memory_space<hbm>>
      %dma_wait3A_30 = tpu.memref_squeeze %dma_wait3A : memref<1x640xf32, #tpu.memory_space<hbm>> -> memref<640xf32, #tpu.memory_space<hbm>>
      %dma_wait3A_31 = tpu.memref_slice %arg8[%mul3A_2] : memref<10240xf32, #tpu.memory_space<vmem_shared>> -> memref<640xf32, #tpu.memory_space<vmem_shared>>
      tpu.wait_dma2 semaphore(%run_scoped3A : memref<!tpu.dma_semaphore, #tpu.memory_space<semaphore_mem>>) src(%dma_wait3A_31 : memref<640xf32, #tpu.memory_space<vmem_shared>>) dst(%dma_wait3A_30 : memref<640xf32, #tpu.memory_space<hbm>>)
      tpu.yield
    }) : () -> ()
    return
  }
}

module attributes {stable_mosaic.version = 14 : i64} {
  func.func @_main_body(%arg0: i32, %arg1: i32, %arg2: memref<2x2048x128xf32, #tpu.memory_space<vmem>>, %arg3: memref<2048xf32, #tpu.memory_space<vmem>>, %arg4: memref<128x128xf32, #tpu.memory_space<vmem>>, %arg5: memref<128xf32, #tpu.memory_space<vmem>>, %arg6: memref<128x64xf32, #tpu.memory_space<vmem>>, %arg7: memref<1x128x256xf32, #tpu.memory_space<vmem>>, %arg8: memref<1x1x256xf32, #tpu.memory_space<vmem>>, %arg9: memref<1x256x128xf32, #tpu.memory_space<vmem>>, %arg10: memref<1x1x128xf32, #tpu.memory_space<vmem>>, %arg11: memref<2048x128xf32, #tpu.memory_space<vmem>>, %arg12: memref<2x128xf32, #tpu.memory_space<vmem>>, %arg13: memref<2048x128xf32, #tpu.memory_space<vmem>>, %arg14: memref<2048x128xf32, #tpu.memory_space<vmem>>, %arg15: memref<2048x1xf32, #tpu.memory_space<vmem>>, %arg16: memref<2048x1xf32, #tpu.memory_space<vmem>>, %arg17: memref<2048x1xi32, #tpu.memory_space<vmem>>, %arg18: memref<2048x1xi32, #tpu.memory_space<vmem>>) attributes {dimension_semantics = [#tpu.dimension_semantics<arbitrary>, #tpu.dimension_semantics<arbitrary>], iteration_bounds = array<i64: 5, 64>, scalar_prefetch = 0 : i64, scratch_operands = 6 : i64, tpu.core_type = #tpu.core_type<tc>, window_params = [{transform_indices = @transform_0, window_bounds = array<i64: 2, 2048, 128>}, {transform_indices = @transform_1, window_bounds = array<i64: 2048>}, {pipeline_mode = #tpu.pipeline_mode<synchronous>, transform_indices = @transform_2, window_bounds = array<i64: 128, 128>}, {pipeline_mode = #tpu.pipeline_mode<synchronous>, transform_indices = @transform_3, window_bounds = array<i64: 128>}, {pipeline_mode = #tpu.pipeline_mode<synchronous>, transform_indices = @transform_4, window_bounds = array<i64: 128, 64>}, {transform_indices = @transform_5, window_bounds = array<i64: 1, 128, 256>}, {transform_indices = @transform_6, window_bounds = array<i64: 1, 1, 256>}, {transform_indices = @transform_7, window_bounds = array<i64: 1, 256, 128>}, {transform_indices = @transform_8, window_bounds = array<i64: 1, 1, 128>}, {transform_indices = @transform_9, window_bounds = array<i64: 2048, 128>}, {pipeline_mode = #tpu.pipeline_mode<synchronous>, transform_indices = @transform_10, window_bounds = array<i64: 2, 128>}]} {
    %eq3A = arith.constant 0 : i32
    %eq3A_0 = arith.cmpi eq, %arg1, %eq3A : i32
    %convert_element_type3A = arith.extui %eq3A_0 : i1 to i32
    %cond3A = arith.constant 0 : i32
    %cond3A_1 = arith.cmpi ne, %convert_element_type3A, %cond3A : i32
    scf.if %cond3A_1 {
      %get3A_72 = arith.constant 0 : index
      %get3A_73 = arith.constant 0 : index
      %get3A_74 = arith.constant 0 : index
      %get3A_75 = vector.load %arg2[%get3A_72, %get3A_73, %get3A_74] : memref<2x2048x128xf32, #tpu.memory_space<vmem>>, vector<1x2048x128xf32>
      %get3A_76 = vector.shape_cast %get3A_75 : vector<1x2048x128xf32> to vector<2048x128xf32>
      %get3A_77 = arith.constant 1 : index
      %get3A_78 = arith.constant 0 : index
      %get3A_79 = arith.constant 0 : index
      %get3A_80 = vector.load %arg2[%get3A_77, %get3A_78, %get3A_79] : memref<2x2048x128xf32, #tpu.memory_space<vmem>>, vector<1x2048x128xf32>
      %get3A_81 = vector.shape_cast %get3A_80 : vector<1x2048x128xf32> to vector<2048x128xf32>
      %add3A_82 = arith.addf %get3A_76, %get3A_81 : vector<2048x128xf32>
      %get3A_83 = arith.constant 0 : index
      %get3A_84 = vector.load %arg3[%get3A_83] : memref<2048xf32, #tpu.memory_space<vmem>>, vector<2048xf32>
      %broadcast_in_dim3A_85 = vector.shape_cast %get3A_84 : vector<2048xf32> to vector<2048x1xf32>
      %mul3A_86 = vector.broadcast %broadcast_in_dim3A_85 : vector<2048x1xf32> to vector<2048x128xf32>
      %mul3A_87 = arith.mulf %add3A_82, %mul3A_86 : vector<2048x128xf32>
      %get3A_88 = arith.constant 0 : index
      %get3A_89 = arith.constant 0 : index
      %get3A_90 = vector.load %arg4[%get3A_88, %get3A_89] : memref<128x128xf32, #tpu.memory_space<vmem>>, vector<128x128xf32>
      %dot_general3A_91 = arith.constant dense<0.000000e+00> : vector<2048x128xf32>
      %dot_general3A_92 = tpu.matmul %mul3A_87, %get3A_90, %dot_general3A_91 {dimension_numbers = #tpu.dot_dimension_numbers<[1], [0], [0], [1], [0, 0, 1, 1], [], []>, transpose_lhs_hint = false} : vector<2048x128xf32>, vector<128x128xf32>, vector<2048x128xf32> -> vector<2048x128xf32>
      %get3A_93 = arith.constant 0 : index
      %get3A_94 = vector.load %arg5[%get3A_93] : memref<128xf32, #tpu.memory_space<vmem>>, vector<128xf32>
      %broadcast_in_dim3A_95 = vector.shape_cast %get3A_94 : vector<128xf32> to vector<1x128xf32>
      %add3A_96 = vector.broadcast %broadcast_in_dim3A_95 : vector<1x128xf32> to vector<2048x128xf32>
      %add3A_97 = arith.addf %dot_general3A_92, %add3A_96 : vector<2048x128xf32>
      %swap3A_98 = arith.constant 0 : index
      %swap3A_99 = arith.constant 0 : index
      %swap3A_100 = vector.load %arg13[%swap3A_98, %swap3A_99] : memref<2048x128xf32, #tpu.memory_space<vmem>>, vector<2048x128xf32>
      tpu.vector_store %arg13[%swap3A_98, %swap3A_99], %add3A_97 {strides = array<i32>} : memref<2048x128xf32, #tpu.memory_space<vmem>>, vector<2048x128xf32>,
      %get3A_101 = arith.constant 0 : index
      %get3A_102 = arith.constant 0 : index
      %get3A_103 = vector.load %arg6[%get3A_101, %get3A_102] : memref<128x64xf32, #tpu.memory_space<vmem>>, vector<128x64xf32>
      %dot_general3A_104 = arith.constant dense<0.000000e+00> : vector<2048x64xf32>
      %dot_general3A_105 = tpu.matmul %add3A_97, %get3A_103, %dot_general3A_104 {dimension_numbers = #tpu.dot_dimension_numbers<[1], [0], [0], [1], [0, 0, 1, 1], [], []>, transpose_lhs_hint = false} : vector<2048x128xf32>, vector<128x64xf32>, vector<2048x64xf32> -> vector<2048x64xf32>
      %iota3A = tpu.iota {dimensions = array<i32: 1>} : vector<2048x64xi32>
      %reduce_max3A = arith.constant dense<0xFF800000> : vector<2048xf32>
      %reduce_max3A_106 = vector.multi_reduction <maximumf>, %dot_general3A_105, %reduce_max3A [1] : vector<2048x64xf32> to vector<2048xf32>
      %broadcast_in_dim3A_107 = vector.shape_cast %reduce_max3A_106 : vector<2048xf32> to vector<2048x1xf32>
      %eq3A_108 = vector.broadcast %broadcast_in_dim3A_107 : vector<2048x1xf32> to vector<2048x64xf32>
      %eq3A_109 = arith.cmpf oeq, %dot_general3A_105, %eq3A_108 : vector<2048x64xf32>
      %jit3A_110 = arith.constant 64 : i32
      %broadcast_in_dim3A_111 = vector.broadcast %jit3A_110 : i32 to vector<2048x64xi32>
      %select_n3A_112 = arith.select %eq3A_109, %iota3A, %broadcast_in_dim3A_111 : vector<2048x64xi1>, vector<2048x64xi32>
      %reduce_min3A = arith.constant dense<2147483647> : vector<2048xi32>
      %reduce_min3A_113 = vector.multi_reduction <minsi>, %select_n3A_112, %reduce_min3A [1] : vector<2048x64xi32> to vector<2048xi32>
      %broadcast_in_dim3A_114 = vector.shape_cast %reduce_min3A_113 : vector<2048xi32> to vector<2048x1xi32>
      %eq3A_115 = vector.broadcast %broadcast_in_dim3A_114 : vector<2048x1xi32> to vector<2048x64xi32>
      %eq3A_116 = arith.cmpi eq, %iota3A, %eq3A_115 : vector<2048x64xi32>
      %jit3A_117 = arith.constant 0xFF800000 : f32
      %broadcast_in_dim3A_118 = vector.broadcast %jit3A_117 : f32 to vector<2048x64xf32>
      %select_n3A_119 = arith.select %eq3A_116, %broadcast_in_dim3A_118, %dot_general3A_105 : vector<2048x64xi1>, vector<2048x64xf32>
      %reduce_max3A_120 = arith.constant dense<0xFF800000> : vector<2048xf32>
      %reduce_max3A_121 = vector.multi_reduction <maximumf>, %select_n3A_119, %reduce_max3A_120 [1] : vector<2048x64xf32> to vector<2048xf32>
      %broadcast_in_dim3A_122 = vector.shape_cast %reduce_max3A_121 : vector<2048xf32> to vector<2048x1xf32>
      %eq3A_123 = vector.broadcast %broadcast_in_dim3A_122 : vector<2048x1xf32> to vector<2048x64xf32>
      %eq3A_124 = arith.cmpf oeq, %select_n3A_119, %eq3A_123 : vector<2048x64xf32>
      %jit3A_125 = arith.constant 64 : i32
      %broadcast_in_dim3A_126 = vector.broadcast %jit3A_125 : i32 to vector<2048x64xi32>
      %select_n3A_127 = arith.select %eq3A_124, %iota3A, %broadcast_in_dim3A_126 : vector<2048x64xi1>, vector<2048x64xi32>
      %reduce_min3A_128 = arith.constant dense<2147483647> : vector<2048xi32>
      %reduce_min3A_129 = vector.multi_reduction <minsi>, %select_n3A_127, %reduce_min3A_128 [1] : vector<2048x64xi32> to vector<2048xi32>
      %broadcast_in_dim3A_130 = vector.shape_cast %reduce_min3A_129 : vector<2048xi32> to vector<2048x1xi32>
      %sub3A = arith.subf %broadcast_in_dim3A_122, %broadcast_in_dim3A_107 : vector<2048x1xf32>
      %exp3A = math.exp %sub3A : vector<2048x1xf32>
      %add3A_131 = arith.constant 1.000000e+00 : f32
      %add3A_132 = vector.broadcast %add3A_131 : f32 to vector<2048x1xf32>
      %add3A_133 = arith.addf %add3A_132, %exp3A : vector<2048x1xf32>
      %div3A = arith.constant 1.000000e+00 : f32
      %div3A_134 = vector.broadcast %div3A : f32 to vector<2048x1xf32>
      %div3A_135 = arith.divf %div3A_134, %add3A_133 : vector<2048x1xf32>
      %swap3A_136 = arith.constant 0 : index
      %swap3A_137 = arith.constant 0 : index
      %swap3A_138 = vector.load %arg15[%swap3A_136, %swap3A_137] : memref<2048x1xf32, #tpu.memory_space<vmem>>, vector<2048x1xf32>
      tpu.vector_store %arg15[%swap3A_136, %swap3A_137], %div3A_135 {strides = array<i32>} : memref<2048x1xf32, #tpu.memory_space<vmem>>, vector<2048x1xf32>,
      %add3A_139 = arith.constant 1.000000e+00 : f32
      %add3A_140 = vector.broadcast %add3A_139 : f32 to vector<2048x1xf32>
      %add3A_141 = arith.addf %add3A_140, %exp3A : vector<2048x1xf32>
      %div3A_142 = arith.divf %exp3A, %add3A_141 : vector<2048x1xf32>
      %swap3A_143 = arith.constant 0 : index
      %swap3A_144 = arith.constant 0 : index
      %swap3A_145 = vector.load %arg16[%swap3A_143, %swap3A_144] : memref<2048x1xf32, #tpu.memory_space<vmem>>, vector<2048x1xf32>
      tpu.vector_store %arg16[%swap3A_143, %swap3A_144], %div3A_142 {strides = array<i32>} : memref<2048x1xf32, #tpu.memory_space<vmem>>, vector<2048x1xf32>,
      %swap3A_146 = arith.constant 0 : index
      %swap3A_147 = arith.constant 0 : index
      %swap3A_148 = vector.load %arg17[%swap3A_146, %swap3A_147] : memref<2048x1xi32, #tpu.memory_space<vmem>>, vector<2048x1xi32>
      tpu.vector_store %arg17[%swap3A_146, %swap3A_147], %broadcast_in_dim3A_114 {strides = array<i32>} : memref<2048x1xi32, #tpu.memory_space<vmem>>, vector<2048x1xi32>,
      %swap3A_149 = arith.constant 0 : index
      %swap3A_150 = arith.constant 0 : index
      %swap3A_151 = vector.load %arg18[%swap3A_149, %swap3A_150] : memref<2048x1xi32, #tpu.memory_space<vmem>>, vector<2048x1xi32>
      tpu.vector_store %arg18[%swap3A_149, %swap3A_150], %broadcast_in_dim3A_130 {strides = array<i32>} : memref<2048x1xi32, #tpu.memory_space<vmem>>, vector<2048x1xi32>,
      %broadcast_in_dim3A_152 = arith.constant 0.000000e+00 : f32
      %broadcast_in_dim3A_153 = vector.broadcast %broadcast_in_dim3A_152 : f32 to vector<2048x128xf32>
      %swap3A_154 = arith.constant 0 : index
      %swap3A_155 = arith.constant 0 : index
      %swap3A_156 = vector.load %arg14[%swap3A_154, %swap3A_155] : memref<2048x128xf32, #tpu.memory_space<vmem>>, vector<2048x128xf32>
      tpu.vector_store %arg14[%swap3A_154, %swap3A_155], %broadcast_in_dim3A_153 {strides = array<i32>} : memref<2048x128xf32, #tpu.memory_space<vmem>>, vector<2048x128xf32>,
    } else {
    }
    %get3A = arith.constant 0 : index
    %get3A_2 = arith.constant 0 : index
    %get3A_3 = vector.load %arg13[%get3A, %get3A_2] : memref<2048x128xf32, #tpu.memory_space<vmem>>, vector<2048x128xf32>
    %get3A_4 = arith.constant 0 : index
    %get3A_5 = arith.constant 0 : index
    %get3A_6 = arith.constant 0 : index
    %get3A_7 = vector.load %arg7[%get3A_4, %get3A_5, %get3A_6] : memref<1x128x256xf32, #tpu.memory_space<vmem>>, vector<1x128x256xf32>
    %get3A_8 = vector.shape_cast %get3A_7 : vector<1x128x256xf32> to vector<128x256xf32>
    %dot_general3A = arith.constant dense<0.000000e+00> : vector<2048x256xf32>
    %dot_general3A_9 = tpu.matmul %get3A_3, %get3A_8, %dot_general3A {dimension_numbers = #tpu.dot_dimension_numbers<[1], [0], [0], [1], [0, 0, 1, 1], [], []>, transpose_lhs_hint = false} : vector<2048x128xf32>, vector<128x256xf32>, vector<2048x256xf32> -> vector<2048x256xf32>
    %get3A_10 = arith.constant 0 : index
    %get3A_11 = arith.constant 0 : index
    %get3A_12 = arith.constant 0 : index
    %get3A_13 = vector.load %arg8[%get3A_10, %get3A_11, %get3A_12] : memref<1x1x256xf32, #tpu.memory_space<vmem>>, vector<1x1x256xf32>
    %get3A_14 = vector.shape_cast %get3A_13 : vector<1x1x256xf32> to vector<1x256xf32>
    %add3A = vector.broadcast %get3A_14 : vector<1x256xf32> to vector<2048x256xf32>
    %add3A_15 = arith.addf %dot_general3A_9, %add3A : vector<2048x256xf32>
    %mul3A = arith.constant 5.000000e-01 : f32
    %mul3A_16 = vector.broadcast %mul3A : f32 to vector<2048x256xf32>
    %mul3A_17 = arith.mulf %mul3A_16, %add3A_15 : vector<2048x256xf32>
    %mul3A_18 = arith.constant 0.707106769 : f32
    %mul3A_19 = vector.broadcast %mul3A_18 : f32 to vector<2048x256xf32>
    %mul3A_20 = arith.mulf %add3A_15, %mul3A_19 : vector<2048x256xf32>
    %erf3A = math.erf %mul3A_20 : vector<2048x256xf32>
    %add3A_21 = arith.constant 1.000000e+00 : f32
    %add3A_22 = vector.broadcast %add3A_21 : f32 to vector<2048x256xf32>
    %add3A_23 = arith.addf %add3A_22, %erf3A : vector<2048x256xf32>
    %mul3A_24 = arith.mulf %mul3A_17, %add3A_23 : vector<2048x256xf32>
    %get3A_25 = arith.constant 0 : index
    %get3A_26 = arith.constant 0 : index
    %get3A_27 = arith.constant 0 : index
    %get3A_28 = vector.load %arg9[%get3A_25, %get3A_26, %get3A_27] : memref<1x256x128xf32, #tpu.memory_space<vmem>>, vector<1x256x128xf32>
    %get3A_29 = vector.shape_cast %get3A_28 : vector<1x256x128xf32> to vector<256x128xf32>
    %dot_general3A_30 = arith.constant dense<0.000000e+00> : vector<2048x128xf32>
    %dot_general3A_31 = tpu.matmul %mul3A_24, %get3A_29, %dot_general3A_30 {dimension_numbers = #tpu.dot_dimension_numbers<[1], [0], [0], [1], [0, 0, 1, 1], [], []>, transpose_lhs_hint = false} : vector<2048x256xf32>, vector<256x128xf32>, vector<2048x128xf32> -> vector<2048x128xf32>
    %get3A_32 = arith.constant 0 : index
    %get3A_33 = arith.constant 0 : index
    %get3A_34 = arith.constant 0 : index
    %get3A_35 = vector.load %arg10[%get3A_32, %get3A_33, %get3A_34] : memref<1x1x128xf32, #tpu.memory_space<vmem>>, vector<1x1x128xf32>
    %get3A_36 = vector.shape_cast %get3A_35 : vector<1x1x128xf32> to vector<1x128xf32>
    %add3A_37 = vector.broadcast %get3A_36 : vector<1x128xf32> to vector<2048x128xf32>
    %add3A_38 = arith.addf %dot_general3A_31, %add3A_37 : vector<2048x128xf32>
    %get3A_39 = arith.constant 0 : index
    %get3A_40 = arith.constant 0 : index
    %get3A_41 = vector.load %arg17[%get3A_39, %get3A_40] : memref<2048x1xi32, #tpu.memory_space<vmem>>, vector<2048x1xi32>
    %eq3A_42 = vector.broadcast %arg1 : i32 to vector<2048x1xi32>
    %eq3A_43 = arith.cmpi eq, %get3A_41, %eq3A_42 : vector<2048x1xi32>
    %get3A_44 = arith.constant 0 : index
    %get3A_45 = arith.constant 0 : index
    %get3A_46 = vector.load %arg15[%get3A_44, %get3A_45] : memref<2048x1xf32, #tpu.memory_space<vmem>>, vector<2048x1xf32>
    %jit3A = arith.constant 0.000000e+00 : f32
    %broadcast_in_dim3A = vector.broadcast %jit3A : f32 to vector<2048x1xf32>
    %select_n3A = arith.select %eq3A_43, %get3A_46, %broadcast_in_dim3A : vector<2048x1xi1>, vector<2048x1xf32>
    %get3A_47 = arith.constant 0 : index
    %get3A_48 = arith.constant 0 : index
    %get3A_49 = vector.load %arg18[%get3A_47, %get3A_48] : memref<2048x1xi32, #tpu.memory_space<vmem>>, vector<2048x1xi32>
    %eq3A_50 = vector.broadcast %arg1 : i32 to vector<2048x1xi32>
    %eq3A_51 = arith.cmpi eq, %get3A_49, %eq3A_50 : vector<2048x1xi32>
    %get3A_52 = arith.constant 0 : index
    %get3A_53 = arith.constant 0 : index
    %get3A_54 = vector.load %arg16[%get3A_52, %get3A_53] : memref<2048x1xf32, #tpu.memory_space<vmem>>, vector<2048x1xf32>
    %jit3A_55 = arith.constant 0.000000e+00 : f32
    %broadcast_in_dim3A_56 = vector.broadcast %jit3A_55 : f32 to vector<2048x1xf32>
    %select_n3A_57 = arith.select %eq3A_51, %get3A_54, %broadcast_in_dim3A_56 : vector<2048x1xi1>, vector<2048x1xf32>
    %add3A_58 = arith.addf %select_n3A, %select_n3A_57 : vector<2048x1xf32>
    %get3A_59 = arith.constant 0 : index
    %get3A_60 = arith.constant 0 : index
    %get3A_61 = vector.load %arg14[%get3A_59, %get3A_60] : memref<2048x128xf32, #tpu.memory_space<vmem>>, vector<2048x128xf32>
    %mul3A_62 = vector.broadcast %add3A_58 : vector<2048x1xf32> to vector<2048x128xf32>
    %mul3A_63 = arith.mulf %add3A_38, %mul3A_62 : vector<2048x128xf32>
    %add3A_64 = arith.addf %get3A_61, %mul3A_63 : vector<2048x128xf32>
    %swap3A = arith.constant 0 : index
    %swap3A_65 = arith.constant 0 : index
    %swap3A_66 = vector.load %arg14[%swap3A, %swap3A_65] : memref<2048x128xf32, #tpu.memory_space<vmem>>, vector<2048x128xf32>
    tpu.vector_store %arg14[%swap3A, %swap3A_65], %add3A_64 {strides = array<i32>} : memref<2048x128xf32, #tpu.memory_space<vmem>>, vector<2048x128xf32>,
    %eq3A_67 = arith.constant 63 : i32
    %eq3A_68 = arith.cmpi eq, %arg1, %eq3A_67 : i32
    %convert_element_type3A_69 = arith.extui %eq3A_68 : i1 to i32
    %cond3A_70 = arith.constant 0 : i32
    %cond3A_71 = arith.cmpi ne, %convert_element_type3A_69, %cond3A_70 : i32
    scf.if %cond3A_71 {
      %get3A_72 = arith.constant 0 : index
      %get3A_73 = arith.constant 0 : index
      %get3A_74 = vector.load %arg13[%get3A_72, %get3A_73] : memref<2048x128xf32, #tpu.memory_space<vmem>>, vector<2048x128xf32>
      %get3A_75 = arith.constant 0 : index
      %get3A_76 = arith.constant 0 : index
      %get3A_77 = vector.load %arg14[%get3A_75, %get3A_76] : memref<2048x128xf32, #tpu.memory_space<vmem>>, vector<2048x128xf32>
      %add3A_78 = arith.addf %get3A_74, %get3A_77 : vector<2048x128xf32>
      %swap3A_79 = arith.constant 0 : index
      %swap3A_80 = arith.constant 0 : index
      %swap3A_81 = vector.load %arg11[%swap3A_79, %swap3A_80] : memref<2048x128xf32, #tpu.memory_space<vmem>>, vector<2048x128xf32>
      tpu.vector_store %arg11[%swap3A_79, %swap3A_80], %add3A_78 {strides = array<i32>} : memref<2048x128xf32, #tpu.memory_space<vmem>>, vector<2048x128xf32>,
      %iota3A = tpu.iota {dimensions = array<i32: 0>} : vector<2048x1xi32>
      %mul3A_82 = arith.constant 2048 : i32
      %mul3A_83 = arith.muli %arg0, %mul3A_82 : i32
      %add3A_84 = vector.broadcast %mul3A_83 : i32 to vector<2048x1xi32>
      %add3A_85 = arith.addi %iota3A, %add3A_84 : vector<2048x1xi32>
      %lt3A = arith.constant 10000 : i32
      %lt3A_86 = vector.broadcast %lt3A : i32 to vector<2048x1xi32>
      %lt3A_87 = arith.cmpi slt, %add3A_85, %lt3A_86 : vector<2048x1xi32>
      %jit3A_88 = arith.constant 0.000000e+00 : f32
      %broadcast_in_dim3A_89 = vector.shape_cast %lt3A_87 : vector<2048x1xi1> to vector<2048x1xi1>
      %broadcast_in_dim3A_90 = vector.broadcast %broadcast_in_dim3A_89 : vector<2048x1xi1> to vector<2048x128xi1>
      %broadcast_in_dim3A_91 = vector.broadcast %jit3A_88 : f32 to vector<2048x128xf32>
      %select_n3A_92 = arith.select %broadcast_in_dim3A_90, %add3A_78, %broadcast_in_dim3A_91 : vector<2048x128xi1>, vector<2048x128xf32>
      %reduce_sum3A = arith.constant dense<0.000000e+00> : vector<128xf32>
      %reduce_sum3A_93 = vector.multi_reduction <add>, %select_n3A_92, %reduce_sum3A [0] : vector<2048x128xf32> to vector<128xf32>
      %broadcast_in_dim3A_94 = vector.shape_cast %reduce_sum3A_93 : vector<128xf32> to vector<1x128xf32>
      %mul3A_95 = arith.mulf %select_n3A_92, %select_n3A_92 : vector<2048x128xf32>
      %reduce_sum3A_96 = arith.constant dense<0.000000e+00> : vector<128xf32>
      %reduce_sum3A_97 = vector.multi_reduction <add>, %mul3A_95, %reduce_sum3A_96 [0] : vector<2048x128xf32> to vector<128xf32>
      %broadcast_in_dim3A_98 = vector.shape_cast %reduce_sum3A_97 : vector<128xf32> to vector<1x128xf32>
      %eq3A_99 = arith.constant 0 : i32
      %eq3A_100 = arith.cmpi eq, %arg0, %eq3A_99 : i32
      %broadcast_in_dim3A_101 = arith.constant 0.000000e+00 : f32
      %broadcast_in_dim3A_102 = vector.broadcast %broadcast_in_dim3A_101 : f32 to vector<2x128xf32>
      %get3A_103 = arith.constant 0 : index
      %get3A_104 = arith.constant 0 : index
      %get3A_105 = vector.load %arg12[%get3A_103, %get3A_104] : memref<2x128xf32, #tpu.memory_space<vmem>>, vector<2x128xf32>
      %select_n3A_106 = arith.select %eq3A_100, %broadcast_in_dim3A_102, %get3A_105 : vector<2x128xf32>
      %concatenate3A = tpu.concatenate %broadcast_in_dim3A_94, %broadcast_in_dim3A_98 in 0 : vector<1x128xf32>, vector<1x128xf32> -> vector<2x128xf32>
      %add3A_107 = arith.addf %select_n3A_106, %concatenate3A : vector<2x128xf32>
      %swap3A_108 = arith.constant 0 : index
      %swap3A_109 = arith.constant 0 : index
      %swap3A_110 = vector.load %arg12[%swap3A_108, %swap3A_109] : memref<2x128xf32, #tpu.memory_space<vmem>>, vector<2x128xf32>
      tpu.vector_store %arg12[%swap3A_108, %swap3A_109], %add3A_107 {strides = array<i32>} : memref<2x128xf32, #tpu.memory_space<vmem>>, vector<2x128xf32>,
    } else {
    }
    return
  }
  func.func @transform_0(%arg0: i32, %arg1: i32) -> (i32, i32, i32) {
    %c0_i32 = arith.constant 0 : i32
    %c0_i32_0 = arith.constant 0 : i32
    %c0_i32_1 = arith.constant 0 : i32
    return %c0_i32, %arg0, %c0_i32_0 : i32, i32, i32
  }
  func.func @transform_1(%arg0: i32, %arg1: i32) -> i32 {
    %c0_i32 = arith.constant 0 : i32
    return %arg0 : i32
  }
  func.func @transform_2(%arg0: i32, %arg1: i32) -> (i32, i32) {
    %c0_i32 = arith.constant 0 : i32
    %c0_i32_0 = arith.constant 0 : i32
    %c0_i32_1 = arith.constant 0 : i32
    return %c0_i32, %c0_i32_0 : i32, i32
  }
  func.func @transform_3(%arg0: i32, %arg1: i32) -> i32 {
    %c0_i32 = arith.constant 0 : i32
    %c0_i32_0 = arith.constant 0 : i32
    return %c0_i32 : i32
  }
  func.func @transform_4(%arg0: i32, %arg1: i32) -> (i32, i32) {
    %c0_i32 = arith.constant 0 : i32
    %c0_i32_0 = arith.constant 0 : i32
    %c0_i32_1 = arith.constant 0 : i32
    return %c0_i32, %c0_i32_0 : i32, i32
  }
  func.func @transform_5(%arg0: i32, %arg1: i32) -> (i32, i32, i32) {
    %c0_i32 = arith.constant 0 : i32
    %c0_i32_0 = arith.constant 0 : i32
    %c0_i32_1 = arith.constant 0 : i32
    return %arg1, %c0_i32, %c0_i32_0 : i32, i32, i32
  }
  func.func @transform_6(%arg0: i32, %arg1: i32) -> (i32, i32, i32) {
    %c0_i32 = arith.constant 0 : i32
    %c0_i32_0 = arith.constant 0 : i32
    %c0_i32_1 = arith.constant 0 : i32
    return %arg1, %c0_i32, %c0_i32_0 : i32, i32, i32
  }
  func.func @transform_7(%arg0: i32, %arg1: i32) -> (i32, i32, i32) {
    %c0_i32 = arith.constant 0 : i32
    %c0_i32_0 = arith.constant 0 : i32
    %c0_i32_1 = arith.constant 0 : i32
    return %arg1, %c0_i32, %c0_i32_0 : i32, i32, i32
  }
  func.func @transform_8(%arg0: i32, %arg1: i32) -> (i32, i32, i32) {
    %c0_i32 = arith.constant 0 : i32
    %c0_i32_0 = arith.constant 0 : i32
    %c0_i32_1 = arith.constant 0 : i32
    return %arg1, %c0_i32, %c0_i32_0 : i32, i32, i32
  }
  func.func @transform_9(%arg0: i32, %arg1: i32) -> (i32, i32) {
    %c0_i32 = arith.constant 0 : i32
    %c0_i32_0 = arith.constant 0 : i32
    return %arg0, %c0_i32 : i32, i32
  }
  func.func @transform_10(%arg0: i32, %arg1: i32) -> (i32, i32) {
    %c0_i32 = arith.constant 0 : i32
    %c0_i32_0 = arith.constant 0 : i32
    %c0_i32_1 = arith.constant 0 : i32
    return %c0_i32, %c0_i32_0 : i32, i32
  }
}

module attributes {stable_mosaic.version = 14 : i64} {
  func.func @_norm_body(%arg0: i32, %arg1: memref<2048x128xf32, #tpu.memory_space<vmem>>, %arg2: memref<128xf32, #tpu.memory_space<vmem>>, %arg3: memref<128xf32, #tpu.memory_space<vmem>>, %arg4: memref<2048x128xf32, #tpu.memory_space<vmem>>) attributes {dimension_semantics = [#tpu.dimension_semantics<arbitrary>], iteration_bounds = array<i64: 5>, scalar_prefetch = 0 : i64, scratch_operands = 0 : i64, tpu.core_type = #tpu.core_type<tc>, window_params = [{transform_indices = @transform_0, window_bounds = array<i64: 2048, 128>}, {pipeline_mode = #tpu.pipeline_mode<synchronous>, transform_indices = @transform_1, window_bounds = array<i64: 128>}, {pipeline_mode = #tpu.pipeline_mode<synchronous>, transform_indices = @transform_2, window_bounds = array<i64: 128>}, {transform_indices = @transform_3, window_bounds = array<i64: 2048, 128>}]} {
    %get3A = arith.constant 0 : index
    %get3A_0 = arith.constant 0 : index
    %get3A_1 = vector.load %arg1[%get3A, %get3A_0] : memref<2048x128xf32, #tpu.memory_space<vmem>>, vector<2048x128xf32>
    %get3A_2 = arith.constant 0 : index
    %get3A_3 = vector.load %arg2[%get3A_2] : memref<128xf32, #tpu.memory_space<vmem>>, vector<128xf32>
    %broadcast_in_dim3A = vector.shape_cast %get3A_3 : vector<128xf32> to vector<1x128xf32>
    %mul3A = vector.broadcast %broadcast_in_dim3A : vector<1x128xf32> to vector<2048x128xf32>
    %mul3A_4 = arith.mulf %get3A_1, %mul3A : vector<2048x128xf32>
    %get3A_5 = arith.constant 0 : index
    %get3A_6 = vector.load %arg3[%get3A_5] : memref<128xf32, #tpu.memory_space<vmem>>, vector<128xf32>
    %broadcast_in_dim3A_7 = vector.shape_cast %get3A_6 : vector<128xf32> to vector<1x128xf32>
    %add3A = vector.broadcast %broadcast_in_dim3A_7 : vector<1x128xf32> to vector<2048x128xf32>
    %add3A_8 = arith.addf %mul3A_4, %add3A : vector<2048x128xf32>
    %swap3A = arith.constant 0 : index
    %swap3A_9 = arith.constant 0 : index
    %swap3A_10 = vector.load %arg4[%swap3A, %swap3A_9] : memref<2048x128xf32, #tpu.memory_space<vmem>>, vector<2048x128xf32>
    tpu.vector_store %arg4[%swap3A, %swap3A_9], %add3A_8 {strides = array<i32>} : memref<2048x128xf32, #tpu.memory_space<vmem>>, vector<2048x128xf32>,
    return
  }
  func.func @transform_0(%arg0: i32) -> (i32, i32) {
    %c0_i32 = arith.constant 0 : i32
    %c0_i32_0 = arith.constant 0 : i32
    return %arg0, %c0_i32 : i32, i32
  }
  func.func @transform_1(%arg0: i32) -> i32 {
    %c0_i32 = arith.constant 0 : i32
    %c0_i32_0 = arith.constant 0 : i32
    return %c0_i32 : i32
  }
  func.func @transform_2(%arg0: i32) -> i32 {
    %c0_i32 = arith.constant 0 : i32
    %c0_i32_0 = arith.constant 0 : i32
    return %c0_i32 : i32
  }
  func.func @transform_3(%arg0: i32) -> (i32, i32) {
    %c0_i32 = arith.constant 0 : i32
    %c0_i32_0 = arith.constant 0 : i32
    return %arg0, %c0_i32 : i32, i32
  }
}

</mosaic_0001>

<sc_bundles>
// kernel: kernel.5.cloned.1.call-start
scs
__scs_entry_jumppad:
0x0: {  	(pc) =	sbr.rel $0x88, $3  }
0x1: {  	(tag) =	ssettag $0x0;
	lr =	simm.s32 $0x1  }
0x2: {  	[smem:$0x3F96] =	sst lr;
	_ =	strace $0xD0000000  }
0x3: {  	_ = 	snop  }
0x4: {  	_ = 	snop  }
0x5: {  	_ = 	snop  }
0x6: {  	_ = 	snop  }
0x7: {  	_ = 	snop  }
__scs_overlays_trampoline_lowered:
0x8: {  	[smem:$0x3FA5] =	sst s0  }
0x9: {  	[smem:$0x3FA6] =	sst s1  }
0xa: {  	[smem:$0x3FA7] =	sst s2  }
0xb: {  	[smem:$0x3FA8] =	sst s3  }
0xc: {  	[smem:$0x3FA9] =	sst s4  }
0xd: {  	[smem:$0x3FAA] =	sst s5  }
0xe: {  	[smem:$0x3FAB] =	sst s6  }
0xf: {  	[smem:$0x3FAC] =	sst s7  }
0x10: {  	[smem:$0x3FAD] =	sst s8  }
0x11: {  	[smem:$0x3FAE] =	sst s9;
	s0 =	simm.s32 @!p0 $0x0  }
0x12: {  	s1 =	sld [smem:$0x3F94];
	s0 =	simm.s32 @p0 $0x1  }
0x13: {  	[smem:$0x3FAF] =	sst s0;
	s0 =	simm.s32 @!p1 $0x0  }
0x14: {  	s2 =	sld [smem:$0x3F93];
	s0 =	simm.s32 @p1 $0x1  }
0x15: {  	[smem:$0x3FB0] =	sst s0;
	s0 =	simm.s32 @!p2 $0x0  }
0x16: {  	s3 =	sld [smem:$0x3FDB];
	s0 =	simm.s32 @p2 $0x1  }
0x17: {  	s4 =	simm.s32 $0x1BF5;
	[smem:$0x3FB2] =	sst s0  }
0x18: {  	s0 =	sld [smem:$0x3F95];
	_ =	swait.ge [sflag:s4], $0x0  }
0x19: {  	s7 =	sld [smem:$0x3F96]  }
0x1a: {  	s8 =	sadd.s32 $0xFFFFE003, lr  }
0x1b: {  	s9 =	sadd.s32 $0xFFFFFEF7, lr;
	s5 =	simm.s32 $0xFFFFFFFF;
	p2 =	slt.u32 s8, $0xFFFFF086  }
0x1c: {  	p1 =	slt.u32 s9, $0xF7A;
	s5 =	simm.s32 @!p2 $0x0  }
0x1d: {  	s5 =	simm.s32 @p1 $0x1;
	p0 =	seq.s32 s7, s2  }
0x1e: {  	s7 =	smul.u32 @!p0 $0xF7A, s2;
	p2 =	seq.s32 @!p0 s5, $0x0  }
0x1f: {  	s9 =	smul.u32 $0xF7A, s1;
	s8 =	simm.s32 @!p0 $0x1BF5;
	p2 =	por !p2, p0  }
0x20: {  	[sflag:s8] =	ssyncset.s32 @!p0 $0xFFFFF086;
	s6 =	sadd.s32 @!p0 s3, s7;
	s7 =	simm.s32 @!p0 $0x108  }
0x21: {  	s3 =	sadd.s32 s3, s9;
	s6 =	sadd.s32 @!p0 $0x88, s6;
	s7 =	simm.s32 @p2 $0x1082  }
0x22: {  	[simem:s7], [sflag:s8] =	dma.local @!p0 [hbm:s6], $0xF7A  }
0x23: {  	s9 =	sor.u32 $0xD0000000, s2;
	s6 =	simm.s32 $0x108;
	_ =	swait.ge @!p0 [sflag:s8], $0x0  }
0x24: {  	s3 =	sadd.s32 $0x88, s3;
	s6 =	simm.s32 @!p1 $0x1082;
	[sflag:s4] =	ssyncset.s32 $0xFFFFF086  }
0x25: {  	[simem:s6], [sflag:s4] =	dma.local [hbm:s3], $0xF7A  }
0x26: {  	[smem:$0x3F96] =	sst s1;
	(tag) =	ssettag s2;
	_ =	strace s9  }
0x27: {  	s1 =	sld [smem:$0x3FA6]  }
0x28: {  	s2 =	sld [smem:$0x3FA7]  }
0x29: {  	s4 =	sld [smem:$0x3FA9]  }
0x2a: {  	p0 =	seq.s32 s5, $0x0;
	s5 =	sld [smem:$0x3FAA]  }
0x2b: {  	s6 =	sld [smem:$0x3FAB]  }
0x2c: {  	s7 =	sld [smem:$0x3FAC]  }
0x2d: {  	s3 =	simm.s32 $0x108;
	s8 =	sld [smem:$0x3FAD]  }
0x2e: {  	s3 =	simm.s32 @!p0 $0x1082;
	s9 =	sld [smem:$0x3FAE]  }
0x2f: {  	lr =	sadd.s32 s0, s3;
	s0 =	sld [smem:$0x3FA5]  }
0x30: {  	s3 =	sld [smem:$0x3FA8]  }
0x31: {  	[smem:$0x3FB1] =	sst s10  }
0x32: {  	s10 =	sld [smem:$0x3FAF];
	_ =	sdelay $0x3  }
0x33: {  	p0 =	seq.s32 s10, $0x1;
	s10 =	sld [smem:$0x3FB1];
	_ =	sdelay $0x3  }
0x34: {  	[smem:$0x3FB1] =	sst s10  }
0x35: {  	s10 =	sld [smem:$0x3FB0];
	_ =	sdelay $0x3  }
0x36: {  	p1 =	seq.s32 s10, $0x1;
	s10 =	sld [smem:$0x3FB1];
	_ =	sdelay $0x3  }
0x37: {  	[smem:$0x3FB1] =	sst s10  }
0x38: {  	s10 =	sld [smem:$0x3FB2]  }
0x39: {  	_ = 	snop;
	(pc) =	sbr.ind lr, $3  }
0x3a: {  	_ = 	snop  }
0x3b: {  	_ = 	snop  }
0x3c: {  	p2 =	seq.s32 s10, $0x1;
	s10 =	sld [smem:$0x3FB1]  }
0x3d: {  	_ =	shalt  }
0x3e: {  	_ =	shalt  }
0x3f: {  	_ =	shalt  }
0x40: {  	_ =	shalt  }
0x41: {  	_ =	shalt  }
0x42: {  	_ =	shalt  }
0x43: {  	_ =	shalt  }
0x44: {  	_ =	shalt  }
0x45: {  	_ =	shalt  }
0x46: {  	_ =	shalt  }
0x47: {  	_ =	shalt  }
0x48: {  	_ =	shalt  }
0x49: {  	_ =	shalt  }
0x4a: {  	_ =	shalt  }
0x4b: {  	_ =	shalt  }
0x4c: {  	_ =	shalt  }
0x4d: {  	_ =	shalt  }
0x4e: {  	_ =	shalt  }
0x4f: {  	_ =	shalt  }
0x50: {  	_ =	shalt  }
0x51: {  	_ =	shalt  }
0x52: {  	_ =	shalt  }
0x53: {  	_ =	shalt  }
0x54: {  	_ =	shalt  }
0x55: {  	_ =	shalt  }
0x56: {  	_ =	shalt  }
0x57: {  	_ =	shalt  }
0x58: {  	_ =	shalt  }
0x59: {  	_ =	shalt  }
0x5a: {  	_ =	shalt  }
0x5b: {  	_ =	shalt  }
0x5c: {  	_ =	shalt  }
0x5d: {  	_ =	shalt  }
0x5e: {  	_ =	shalt  }
0x5f: {  	_ =	shalt  }
0x60: {  	_ =	shalt  }
0x61: {  	_ =	shalt  }
0x62: {  	_ =	shalt  }
0x63: {  	_ =	shalt  }
0x64: {  	_ =	shalt  }
0x65: {  	_ =	shalt  }
0x66: {  	_ =	shalt  }
0x67: {  	_ =	shalt  }
0x68: {  	_ =	shalt  }
0x69: {  	_ =	shalt  }
0x6a: {  	_ =	shalt  }
0x6b: {  	_ =	shalt  }
0x6c: {  	_ =	shalt  }
0x6d: {  	_ =	shalt  }
0x6e: {  	_ =	shalt  }
0x6f: {  	_ =	shalt  }
0x70: {  	_ =	shalt  }
0x71: {  	_ =	shalt  }
0x72: {  	_ =	shalt  }
0x73: {  	_ =	shalt  }
0x74: {  	_ =	shalt  }
0x75: {  	_ =	shalt  }
0x76: {  	_ =	shalt  }
0x77: {  	_ =	shalt  }
0x78: {  	_ =	shalt  }
0x79: {  	_ =	shalt  }
0x7a: {  	_ =	shalt  }
0x7b: {  	_ =	shalt  }
0x7c: {  	_ =	shalt  }
0x7d: {  	_ =	shalt  }
0x7e: {  	_ =	shalt  }
0x7f: {  	_ =	shalt  }
0x80: {  	_ =	shalt  }
0x81: {  	_ =	shalt  }
0x82: {  	_ =	shalt  }
0x83: {  	_ =	shalt  }
0x84: {  	_ =	shalt  }
0x85: {  	_ =	shalt  }
0x86: {  	_ =	shalt  }
0x87: {  	_ =	shalt  }
.Lfunc_end0:
.L_simem_size_0:
called_computation_lowered:
.L_overlay_start_0:
0x88: {  	s2 =	sld [smem:$0x3FD9]  }
0x89: {  	s3 =	sld [smem:$0x3FFE];
	_ =	sdelay $0x1  }
0x8a: {  	s1 =	srdreg.scid  }
0x8b: {  	s0 =	sand.u32 $0x1, s1  }
0x8c: {  	s17 =	sshll.u32 s0, $0xA;
	s2 =	sadd.s32 s3, s2  }
0x8d: {  	s2 =	sadd.s32 s2, s17  }
0x8e: {  	[smem:$0x3FBD] =	sst s2  }
0x8f: {  	_ = 	snop  }
0x90: {  	s2 =	sld [smem:$0x3FC9]  }
0x91: {  	s18 =	sld [smem:$0x3FD0];
	(tm) =	ssettm $0x1  }
0x92: {  	s4 =	sld [smem:$0x3FFB];
	_ =	sdelay $0x3  }
0x93: {  	_ =	strace s4  }
0x94: {  	s4 =	sld [smem:$0x3FFC];
	_ =	sdelay $0x3  }
0x95: {  	_ =	strace s4  }
0x96: {  	s4 =	sld [smem:$0x3FFD];
	_ =	sdelay $0x3  }
0x97: {  	_ =	strace s4  }
0x98: {  	_ =	strace $0x8FFFFFFF  }
0x99: {  	s19 =	sld [smem:$0x3FDB];
	_ =	sdelay $0x1  }
0x9a: {  	s5 =	simm.s32 $_scs_section_size  }
0x9b: {  	s6 =	simm.s32 $_size__tile_overlayer_lowered;
	s7 =	simm.s32 $_tile_overlayer_lowered  }
0x9c: {  	s22 =	simm.s32 $0x1BFF;
	s21 =	sshll.u32 s7, $0x1;
	s4 =	sadd.s32 s5, s19  }
0x9d: {  	s8 =	simm.s32 $0x0;
	s20 =	sshll.u32 s6, $0x1;
	s6 =	sadd.s32 s21, s4  }
0x9e: {  	[timem:s8], [sflag:s22] =	dma.local [hbm:s6], s20  }
0x9f: {  	_ =	swait.ge [sflag:s22], s20  }
0xa0: {  	s5 =	ssub.s32 $0x0, s20;
	[sflag:s22] =	ssyncset.done $0x0  }
0xa1: {  	[sflag:s22] =	ssyncadd.s32 s5;
	_ =	sdelay $0x1  }
0xa2: {  	s23 =	simm.s32 $0x1B8B  }
0xa3: {  	_ =	swait.ge [sflag:s23], $0x1  }
0xa4: {  	[sflag:s23] =	ssyncset.done $0x0  }
0xa5: {  	s25 =	simm.s32 $0x1B8E;
	s24 =	sld [smem:$0x3FFE];
	[sflag:s23] =	ssyncadd.s32 $0xFFFFFFFF  }
0xa6: {  	s26 =	simm.s32 $execute0_lowered;
	[smem:$0x3FD2] =	sst s25  }
0xa7: {  	s6 =	sshll.u32 s26, $0x1;
	_ =	strace $0x80000046;
	[dreg:$0x1] =	wrdreg $0xFFFFFFFF  }
0xa8: {  	s28 =	simm.s32 $_size_execute0_lowered;
	s4 =	sadd.s32 s4, s6;
	[dreg:$0x0] =	wrdreg $0x0  }
0xa9: {  	s6 =	sshll.u32 s28, $0x1;
	[dreg:$0x2] =	wrdreg s4  }
0xaa: {  	[dreg:$0x3] =	wrdreg s6  }
0xab: {  	[dreg:$0x4] =	wrdreg $0xC0  }
0xac: {  	_ =	task [dreg:s8], $0x5FFFF  }
0xad: {  	[dreg:$0x1] =	wrdreg $0xFFFFFFFF  }
0xae: {  	[dreg:$0x0] =	wrdreg $0x60  }
0xaf: {  	[dreg:$0x2] =	wrdreg s2  }
0xb0: {  	[dreg:$0x3] =	wrdreg s18  }
0xb1: {  	[dreg:$0x4] =	wrdreg s24  }
0xb2: {  	[dreg:$0x5] =	wrdreg $0x0  }
0xb3: {  	[dreg:$0x6] =	wrdreg $0x140000  }
0xb4: {  	[dreg:$0x7] =	wrdreg $0x9  }
0xb5: {  	_ =	task.clear_ibuf [dreg:s8], $0x8FFFF;
	_ =	strace $0x90000046  }
0xb6: {  	s29 =	simm.s32 $0x9;
	_ =	strace $0x80000048  }
0xb7: {  	_ =	swait.ge [sflag:s29], $0x1  }
0xb8: {  	[sflag:s29] =	ssyncadd.s32 $0xFFFFFFFF  }
0xb9: {  	_ =	strace $0x90000048  }
0xba: {  	_ =	sfence  }
0xbb: {  	s30 =	sld [smem:$0x0];
	_ =	sdelay $0x2  }
0xbc: {  	s31 =	sshll.u32 s1, $0xD;
	s1 =	sshrl.u32 s1, $0x2  }
0xbd: {  	s3 =	sand.u32 $0x4000, s31;
	s1 =	sadd.s32 s1, s30  }
0xbe: {  	s0 =	sor.u32 s3, s0;
	s1 =	sshll.u32 s1, $0x11  }
0xbf: {  	s0 =	sor.u32 s1, s0  }
0xc0: {  	s0 =	sadd.s32 $0x8F2B, s0  }
0xc1: {  	[sflag:s0] =	ssyncadd.remote.s32 $0x1  }
0xc2: {  	_ =	sfence.sel $0xFFFF  }
0xc3: {  	[dreg:$0x0] =	wrdreg $0xFFFFFFFF;
	(pc) =	sbr.abs _section_cstart, $3  }
0xc4: {  	[dreg:$0x1] =	wrdreg $0xFFFFFFFF  }
0xc5: {  	_ =	task.clear_ibuf [dreg:s8], $0x2FFFF;
	_ =	strace $0x9FFFFFFF  }
0xc6: {  	(tm) =	ssettm $0x7FFFFFFF  }
0xc7: {  	_ =	shalt  }
tec
execute0_lowered:
.L_overlay_start_1:
0x0: {  	(tag) =	ssettag $0x1  }
0x1: {  	s1 =	rddreg [dreg:$0x0]  }
0x2: {  	s8 =	rddreg [dreg:$0x1]  }
0x3: {  	s6 =	rddreg [dreg:$0x2]  }
0x4: {  	s2 =	rddreg [dreg:$0x3]  }
0x5: {  	s3 =	rddreg [dreg:$0x4]  }
0x6: {  	s5 =	simm.s32 $0x0;
	s4 =	srdreg.scid;
	s17 =	simm.s32 $0x1EA80  }
0x7: {  	s18 =	simm.s32 $0x2;
	s19 =	simm.s32 $0x14280;
	s20 =	simm.s32 $0x18280  }
0x8: {  	s21 =	simm.s32 $0x50;
	s22 =	simm.s32 $0x1C280;
	s7 =	sand.u32 $0x1, s4  }
0x9: {  	s23 =	simm.s32 $0x1;
	s4 =	stileid.u32;
	s9 =	smul.u32 $0x140000, s7  }
0xa: {  	s24 =	simm.s32 $0x1EE80;
	[smem:$0x7FF] =	sst s5;
	s12 =	smul.u32 $0x14000, s4  }
0xb: {  	s10 =	sshll.u32 s7, $0xF;
	s11 =	sshll.u32 s4, $0xB;
	s25 =	smul.u32 $0x500, s4  }
0xc: {  	_ =	strace $0x80000047;
	s26 =	sshll.u32 s7, $0x7;
	s28 =	smul.u32 $0x50000, s4  }
0xd: {  	s7 =	ssub.s32 $0x2, s7;
	s14 =	smul.u32 $0xA00, s4;
	s10 =	sor.u32 s11, s10  }
0xe: {  	s29 =	sshrl.u32 s7, $0x1;
	s13 =	sadd.s32 s10, s6;
	s9 =	sadd.s32 s12, s9  }
0xf: {  	s11 =	sor.u32 s26, s25;
	s16 =	ssub.s32 s7, s29;
	s30 =	sshrl.u32 s28, $0x2  }
0x10: {  	s31 =	sshrl.u32 s14, $0x2;
	s8 =	sadd.s32 s8, s10;
	s25 =	simm.s32 $0x20  }
0x11: {  	s26 =	simm.s32 $0x10;
	s9 =	sshrl.u32 s9, $0x3;
	s11 =	sshrl.u32 s11, $0x3  }
0x12: {  	s7 =	sadd.s32 s31, s3;
	s12 =	smax.u32 s16, $0x1;
	s15 =	sadd.s32 s9, s6  }
0x13: {  	s11 =	sadd.s32 s11, s6;
	s6 =	sadd.s32 s30, s2;
	s9 =	sadd.s32 $0x2200, s13  }
0x14: {  	s13 =	sadd.s32 $0x80, s7;
	s14 =	sadd.s32 $0x100, s7;
	s16 =	sadd.s32 $0x200, s7  }
0x15: {  	v0 =	vimm.f32 $0.0e+00;
	v1 =	vimm.f32 $1.000000000e+00;
	s10 =	sadd.s32 $0x12C00, s15;
	s11 =	sadd.s32 $0x12200, s11;
	s15 =	sadd.s32 $0x180, s7  }
.LBB2_1:
0x16: {  	[tilespmem:$0x1EA80] =	vst v0  }
0x17: {  	[tilespmem:$0x1EA90] =	vst v0  }
0x18: {  	[tilespmem:$0x1EAA0] =	vst v0  }
0x19: {  	[tilespmem:$0x1EAB0] =	vst v0  }
0x1a: {  	[tilespmem:$0x1EAC0] =	vst v0  }
0x1b: {  	[tilespmem:$0x1EAD0] =	vst v0  }
0x1c: {  	[tilespmem:$0x1EAE0] =	vst v0  }
0x1d: {  	[tilespmem:$0x1EAF0] =	vst v0  }
0x1e: {  	[tilespmem:$0x1EB00] =	vst v0  }
0x1f: {  	[tilespmem:$0x1EB10] =	vst v0  }
0x20: {  	[tilespmem:$0x1EB20] =	vst v0  }
0x21: {  	[tilespmem:$0x1EB30] =	vst v0  }
0x22: {  	[tilespmem:$0x1EB40] =	vst v0  }
0x23: {  	[tilespmem:$0x1EB50] =	vst v0  }
0x24: {  	[tilespmem:$0x1EB60] =	vst v0  }
0x25: {  	[tilespmem:$0x1EB70] =	vst v0  }
0x26: {  	[tilespmem:$0x1EB80] =	vst v0  }
0x27: {  	[tilespmem:$0x1EB90] =	vst v0  }
0x28: {  	[tilespmem:$0x1EBA0] =	vst v0  }
0x29: {  	[tilespmem:$0x1EBB0] =	vst v0  }
0x2a: {  	[tilespmem:$0x1EBC0] =	vst v0  }
0x2b: {  	[tilespmem:$0x1EBD0] =	vst v0  }
0x2c: {  	[tilespmem:$0x1EBE0] =	vst v0  }
0x2d: {  	[tilespmem:$0x1EBF0] =	vst v0  }
0x2e: {  	[tilespmem:$0x1EC00] =	vst v0  }
0x2f: {  	[tilespmem:$0x1EC10] =	vst v0  }
0x30: {  	[tilespmem:$0x1EC20] =	vst v0  }
0x31: {  	[tilespmem:$0x1EC30] =	vst v0  }
0x32: {  	[tilespmem:$0x1EC40] =	vst v0  }
0x33: {  	[tilespmem:$0x1EC50] =	vst v0  }
0x34: {  	[tilespmem:$0x1EC60] =	vst v0  }
0x35: {  	[tilespmem:$0x1EC70] =	vst v0  }
0x36: {  	[tilespmem:$0x1EC80] =	vst v0  }
0x37: {  	[tilespmem:$0x1EC90] =	vst v0  }
0x38: {  	[tilespmem:$0x1ECA0] =	vst v0  }
0x39: {  	[tilespmem:$0x1ECB0] =	vst v0  }
0x3a: {  	[tilespmem:$0x1ECC0] =	vst v0  }
0x3b: {  	[tilespmem:$0x1ECD0] =	vst v0  }
0x3c: {  	[tilespmem:$0x1ECE0] =	vst v0  }
0x3d: {  	[tilespmem:$0x1ECF0] =	vst v0  }
0x3e: {  	[tilespmem:$0x1ED00] =	vst v0  }
0x3f: {  	[tilespmem:$0x1ED10] =	vst v0  }
0x40: {  	[tilespmem:$0x1ED20] =	vst v0  }
0x41: {  	[tilespmem:$0x1ED30] =	vst v0  }
0x42: {  	[tilespmem:$0x1ED40] =	vst v0  }
0x43: {  	[tilespmem:$0x1ED50] =	vst v0  }
0x44: {  	[tilespmem:$0x1ED60] =	vst v0  }
0x45: {  	[tilespmem:$0x1ED70] =	vst v0  }
0x46: {  	[tilespmem:$0x1ED80] =	vst v0  }
0x47: {  	[tilespmem:$0x1ED90] =	vst v0  }
0x48: {  	[tilespmem:$0x1EDA0] =	vst v0  }
0x49: {  	[tilespmem:$0x1EDB0] =	vst v0  }
0x4a: {  	[tilespmem:$0x1EDC0] =	vst v0  }
0x4b: {  	[tilespmem:$0x1EDD0] =	vst v0  }
0x4c: {  	[tilespmem:$0x1EDE0] =	vst v0  }
0x4d: {  	[tilespmem:$0x1EDF0] =	vst v0  }
0x4e: {  	[tilespmem:$0x1EE00] =	vst v0  }
0x4f: {  	[tilespmem:$0x1EE10] =	vst v0  }
0x50: {  	[tilespmem:$0x1EE20] =	vst v0  }
0x51: {  	[tilespmem:$0x1EE30] =	vst v0  }
0x52: {  	[tilespmem:$0x1EE40] =	vst v0  }
0x53: {  	[tilespmem:$0x1EE50] =	vst v0  }
0x54: {  	[tilespmem:$0x1EE60] =	vst v0  }
0x55: {  	[tilespmem:$0x1EE70] =	vst v0  }
0x56: {  	[tilespmem:$0x1EE80] =	vst v1  }
0x57: {  	[tilespmem:$0x1EE90] =	vst v1  }
0x58: {  	[tilespmem:$0x1EEA0] =	vst v1  }
0x59: {  	[tilespmem:$0x1EEB0] =	vst v1  }
0x5a: {  	[tilespmem:$0x1EEC0] =	vst v1;
	s28 =	sadd.s32 $0x0, s6  }
0x5b: {  	[spmem:s28] =	stream.linear.scatter [tilespmem:s17], [sflag:$0x2], $0x400, $0x38;
	[tilespmem:$0x1EF00] =	vst v63  }
0x5c: {  	s28 =	simm.s32 $0x1000;
	_ =	swait.ge [sflag:s18], $0x400  }
.LBB2_2:
0x5d: {  	s29 =	sshra.s32 s28, $0x2;
	[sflag:s18] =	ssyncset.done $0x0;
	p0 =	seq.s32 s28, $0x4F000  }
.Ltmp0:
0x5e: {  	s29 =	sadd.s32 s29, s6;
	[sflag:s18] =	ssyncadd.s32 $0xFFFFFC00;
	(pc) =	sbr.rel @!p0 .LBB2_2-.Ltmp0, $3  }
0x5f: {  	[spmem:s29] =	stream.linear.scatter [tilespmem:s17], [sflag:$0x2], $0x400, $0x38;
	[tilespmem:$0x1EF00] =	vst v63  }
0x60: {  	s28 =	sadd.s32 $0x1000, s28;
	_ =	sdelay $0x1  }
0x61: {  	_ =	swait.ge [sflag:s18], $0x400  }
0x62: {  	[sflag:s18] =	ssyncset.done $0x0  }
0x63: {  	[sflag:s18] =	ssyncadd.s32 $0xFFFFFC00  }
0x64: {  	[spmem:s7] =	stream.linear.scatter [tilespmem:s17], [sflag:$0x2], $0x80, $0x38;
	[tilespmem:$0x1EF00] =	vst v63  }
0x65: {  	_ =	swait.ge [sflag:s18], $0x80  }
0x66: {  	[sflag:s18] =	ssyncset.done $0x0  }
0x67: {  	[sflag:s18] =	ssyncadd.s32 $0xFFFFFF80  }
0x68: {  	[spmem:s13] =	stream.linear.scatter [tilespmem:s17], [sflag:$0x2], $0x80, $0x38;
	[tilespmem:$0x1EF00] =	vst v63  }
0x69: {  	_ =	swait.ge [sflag:s18], $0x80  }
0x6a: {  	[sflag:s18] =	ssyncset.done $0x0  }
0x6b: {  	[sflag:s18] =	ssyncadd.s32 $0xFFFFFF80  }
0x6c: {  	[spmem:s14] =	stream.linear.scatter [tilespmem:s17], [sflag:$0x2], $0x80, $0x38;
	[tilespmem:$0x1EF00] =	vst v63  }
0x6d: {  	_ =	swait.ge [sflag:s18], $0x80  }
0x6e: {  	[sflag:s18] =	ssyncset.done $0x0  }
0x6f: {  	[sflag:s18] =	ssyncadd.s32 $0xFFFFFF80  }
0x70: {  	[spmem:s15] =	stream.linear.scatter [tilespmem:s17], [sflag:$0x2], $0x80, $0x38;
	[tilespmem:$0x1EF00] =	vst v63  }
0x71: {  	_ =	swait.ge [sflag:s18], $0x80  }
0x72: {  	[sflag:s18] =	ssyncset.done $0x0  }
0x73: {  	[sflag:s18] =	ssyncadd.s32 $0xFFFFFF80  }
0x74: {  	[spmem:s16] =	stream.linear.scatter [tilespmem:s17], [sflag:$0x2], $0x80, $0x38;
	[tilespmem:$0x1EF00] =	vst v63  }
0x75: {  	_ =	swait.ge [sflag:s18], $0x80  }
0x76: {  	[sflag:s18] =	ssyncset.done $0x0  }
0x77: {  	[sflag:s18] =	ssyncadd.s32 $0xFFFFFF80  }
0x78: {  	s28 =	simm.s32 $0x0;
	[bflag:$0x0] =	sbarrier.arrive $0xFFFF  }
0x79: {  	[tilespmem:s19], [sflag:$0x2] =	stream.linear.gather [hbm4b:s8+s28], $0x3E80, $0x38;
	[tilespmem:$0x1EF00] =	vst v63  }
0x7a: {  	_ =	swait.ge [sflag:s18], $0x3E80  }
0x7b: {  	[sflag:s18] =	ssyncset.done $0x0  }
0x7c: {  	[sflag:s18] =	ssyncadd.s32 $0xFFFFC180  }
0x7d: {  	[tilespmem:s20], [sflag:$0x2] =	stream.linear.gather [hbm4b:s9+s28], $0x3E80, $0x38;
	[tilespmem:$0x1EF00] =	vst v63  }
0x7e: {  	_ =	swait.ge [sflag:s18], $0x3E80  }
0x7f: {  	[sflag:s18] =	ssyncset.done $0x0  }
0x80: {  	s28 =	simm.s32 $0x14280;
	[sflag:s18] =	ssyncadd.s32 $0xFFFFC180  }
0x81: {  	[tilespmem:s22], [sflag:$0x1] =	stream.indirect.gather [hbm4b:s1+s21], $0x80, s28, s21, $0xb8;
	[tilespmem:$0x1EF00] =	vst v63  }
0x82: {  	_ =	swait.ge [sflag:s23], $0x2800  }
0x83: {  	[sflag:s23] =	ssyncset.done $0x0  }
0x84: {  	s28 =	simm.s32 $0x18280;
	[sflag:s23] =	ssyncadd.s32 $0xFFFFD800  }
0x85: {  	[spmem:s2] =	stream.indirect.scatter.add.f32 [tilespmem:s22], [sflag:$0x2], $0x80, s28, s21, $0xb8;
	[tilespmem:$0x1EF00] =	vst v63  }
0x86: {  	_ =	swait.ge [sflag:s18], $0x2800  }
0x87: {  	[sflag:s18] =	ssyncset.done $0x0  }
0x88: {  	[sflag:s18] =	ssyncadd.s32 $0xFFFFD800  }
0x89: {  	[spmem:s3] =	stream.indirect.scatter.add.f32 [tilespmem:s24], [sflag:$0x2], $0x1, s28, s21, $0xb8;
	[tilespmem:$0x1EF00] =	vst v63  }
0x8a: {  	_ =	swait.ge [sflag:s18], $0x50  }
0x8b: {  	s29 =	simm.s32 $0x400;
	s28 =	simm.s32 $0x80;
	[sflag:s18] =	ssyncset.done $0x0  }
.LBB2_4:
0x8c: {  	s30 =	sadd.s32 $0x14280, s28  }
0x8d: {  	[sflag:s18] =	ssyncadd.s32 $0xFFFFFFB0;
	s31 =	smov.u32 s29;
	s0 =	sadd.s32 $0x200, s29  }
0x8e: {  	[tilespmem:s22], [sflag:$0x1] =	stream.indirect.gather [hbm4b:s1+s21], $0x80, s30, s21, $0xb8;
	[tilespmem:$0x1EF00] =	vst v63  }
0x8f: {  	p0 =	sne.s32 s29, $0xF800;
	_ =	swait.ge [sflag:s23], $0x2800  }
0x90: {  	[sflag:s23] =	ssyncset.done $0x0  }
0x91: {  	s28 =	sadd.s32 $0x18280, s28;
	[sflag:s23] =	ssyncadd.s32 $0xFFFFD800  }
0x92: {  	[spmem:s2] =	stream.indirect.scatter.add.f32 [tilespmem:s22], [sflag:$0x2], $0x80, s28, s21, $0xb8;
	[tilespmem:$0x1EF00] =	vst v63  }
0x93: {  	_ =	swait.ge [sflag:s18], $0x2800  }
.Ltmp1:
0x94: {  	[sflag:s18] =	ssyncset.done $0x0;
	(pc) =	sbr.rel @p0 .LBB2_4-.Ltmp1, $4  }
0x95: {  	[sflag:s18] =	ssyncadd.s32 $0xFFFFD800  }
0x96: {  	[spmem:s3] =	stream.indirect.scatter.add.f32 [tilespmem:s24], [sflag:$0x2], $0x1, s28, s21, $0xb8;
	[tilespmem:$0x1EF00] =	vst v63  }
0x97: {  	_ =	swait.ge [sflag:s18], $0x50  }
0x98: {  	s29 =	smov.u32 s0;
	s28 =	sshra.s32 s31, $0x2;
	[sflag:s18] =	ssyncset.done $0x0  }
0x99: {  	s0 =	sadd.s32 $0x14280, s28;
	[sflag:s18] =	ssyncadd.s32 $0xFFFFFFB0  }
0x9a: {  	[tilespmem:s22], [sflag:$0x1] =	stream.indirect.gather [hbm4b:s1+s21], $0x80, s0, s21, $0xb8;
	[tilespmem:$0x1EF00] =	vst v63  }
0x9b: {  	_ =	swait.ge [sflag:s23], $0x2800  }
0x9c: {  	[sflag:s23] =	ssyncset.done $0x0  }
0x9d: {  	s28 =	sadd.s32 $0x18280, s28;
	[sflag:s23] =	ssyncadd.s32 $0xFFFFD800  }
0x9e: {  	[spmem:s2] =	stream.indirect.scatter.add.f32 [tilespmem:s22], [sflag:$0x2], $0x80, s28, s21, $0xb8;
	[tilespmem:$0x1EF00] =	vst v63  }
0x9f: {  	_ =	swait.ge [sflag:s18], $0x2800  }
0xa0: {  	[sflag:s18] =	ssyncset.done $0x0  }
0xa1: {  	[sflag:s18] =	ssyncadd.s32 $0xFFFFD800  }
0xa2: {  	[spmem:s3] =	stream.indirect.scatter.add.f32 [tilespmem:s24], [sflag:$0x2], $0x1, s28, s21, $0xb8;
	[tilespmem:$0x1EF00] =	vst v63  }
0xa3: {  	_ =	swait.ge [sflag:s18], $0x50  }
0xa4: {  	[sflag:s18] =	ssyncset.done $0x0  }
0xa5: {  	s29 =	sshll.u32 s4, $0x6;
	[sflag:s18] =	ssyncadd.s32 $0xFFFFFFB0  }
0xa6: {  	s30 =	sshrl.u32 s6, $0x3;
	s0 =	sor.u32 $0x1C02, s29;
	[bflag:$0x0] =	sbarrier.arrive $0xFFFF  }
0xa7: {  	[hbm:s10], [sflag:s0] =	dma.local [spmem:s30], $0x2800  }
0xa8: {  	s5 =	sadd.s32 $0x1, s5;
	_ =	swait.ge [sflag:s18], $0x2800  }
0xa9: {  	p0 =	sne.s32 s5, s12;
	[sflag:s18] =	ssyncset.done $0x0  }
.Ltmp2:
0xaa: {  	s31 =	sshrl.u32 s7, $0x3;
	[sflag:s18] =	ssyncadd.s32 $0xFFFFD800;
	(pc) =	sbr.rel @p0 .LBB2_1-.Ltmp2, $4  }
0xab: {  	[hbm:s11@s25], [sflag:s0] =	dma.strided [spmem:s31@s26], $0x50, s23, $0x10   }
0xac: {  	_ =	swait.ge [sflag:s18], $0x50  }
0xad: {  	[sflag:s18] =	ssyncset.done $0x0  }
0xae: {  	[sflag:s18] =	ssyncadd.s32 $0xFFFFFFB0  }
0xaf: {  	_ =	sfence.sel $0x180000  }
0xb0: {  	[bflag:$0x0] =	sbarrier.arrive $0xFFFF  }
0xb1: {  	_ =	strace $0x90000047  }
0xb2: {  	[bflag:$0x2] =	sbarrier.arrive $0xFFFF  }
0xb3: {  	p0 =	sne.s32 s4, $0x0;
	s0 =	rddreg [dreg:$0x5]  }
0xb4: {  	s0 =	sadd.s32 @!p0 $0x100000, s0  }
0xb5: {  	[sflag:s0] =	ssyncadd.tile.s32 @!p0 $0x1;
	_ =	shalt  }
.Lfunc_end2:
_tile_overlayer_lowered:
.L_overlay_start_2:
0xb6: {  	(tag) =	ssettag $0x2  }
0xb7: {  	s0 =	rddreg [dreg:$0x0];
	s2 =	stileid.u32  }
0xb8: {  	s1 =	rddreg [dreg:$0x1];
	p0 =	sne.s32 s2, $0x0  }
0xb9: {  	s3 =	rddreg [dreg:$0x2];
	[bflag:$0x3] =	sbarrier.arrive $0xFFFF;
	s2 =	simm.s32 @!p0 $0x1C02  }
0xba: {  	[timem:s3], [sflag:s2] =	dma.local @!p0 [hbm:s0], s1  }
0xbb: {  	s0 =	simm.s32 @!p0 $0x2  }
0xbc: {  	_ =	swait.ge @!p0 [sflag:s0], s1  }
0xbd: {  	s1 =	ssub.s32 @!p0 $0x0, s1;
	[sflag:s0] =	ssyncset.done @!p0 $0x0  }
0xbe: {  	[sflag:s0] =	ssyncadd.s32 @!p0 s1  }
0xbf: {  	[bflag:$0x3] =	sbarrier.arrive $0xFFFF  }
0xc0: {  	_ =	shalt  }

</sc_bundles>
